<compile_context>
chip_gen: v7x
topology: tpu7x:2x2x1
jax: 0.10.2.dev20260603
libtpu: 0.0.44.dev20260713+nightly
codegen_flags: <defaults>
</compile_context>

<pallas_src>
import functools

import jax
import jax.numpy as jnp
from jax import lax
from jax.experimental import pallas as pl
from jax.experimental.pallas import tpu as pltpu
from jax.experimental.pallas import tpu_sc as plsc

NC = 2
NS = 16
NW = NC * NS
CHUNK = 64
NBUF = 6


@functools.lru_cache(maxsize=None)
def _make_sc_gather(Bs, V, D, t_off):
    b_per_w = Bs // NW
    n_chunks = b_per_w // CHUNK
    nbuf = min(NBUF, n_chunks)
    mesh = plsc.VectorSubcoreMesh(core_axis_name="c", subcore_axis_name="s")

    @functools.partial(
        pl.kernel,
        mesh=mesh,
        out_type=jax.ShapeDtypeStruct((Bs, D), jnp.float32),
        scratch_types=(
            [pltpu.VMEM((b_per_w,), jnp.int32)]
            + [pltpu.VMEM((CHUNK, D), jnp.float32) for _ in range(nbuf)]
            + [pltpu.SemaphoreType.DMA for _ in range(2 * nbuf)]
        ),
    )
    def gather_kernel(idx_hbm, table_hbm, out_hbm, idx_v, *refs):
        rows = list(refs[:nbuf])
        gsem = list(refs[nbuf:2 * nbuf])
        wsem = list(refs[2 * nbuf:3 * nbuf])

        wid = lax.axis_index("s") * NC + lax.axis_index("c")
        base = wid * b_per_w

        pltpu.sync_copy(idx_hbm.at[pl.ds(t_off + base, b_per_w)], idx_v)

        def fire_gather(c):
            return pltpu.async_copy(
                table_hbm.at[idx_v.at[pl.ds(c * CHUNK, CHUNK)]],
                rows[c % nbuf], gsem[c % nbuf])

        gcp = [None] * nbuf
        wcp = [None] * n_chunks
        w_done = [False] * n_chunks
        for c in range(nbuf):
            gcp[c % nbuf] = fire_gather(c)
        for c in range(n_chunks):
            gcp[c % nbuf].wait()
            wcp[c] = pltpu.async_copy(
                rows[c % nbuf],
                out_hbm.at[pl.ds(base + c * CHUNK, CHUNK)],
                wsem[c % nbuf])
            if c + nbuf < n_chunks:
                wcp[c].wait()
                w_done[c] = True
                gcp[c % nbuf] = fire_gather(c + nbuf)
        for c in range(n_chunks):
            if not w_done[c]:
                wcp[c].wait()

    return gather_kernel


@functools.lru_cache(maxsize=None)
def _make_tc_proj(Bs, D, E, blk, out_B, out_off, alias_prev):
    nblk = Bs // blk
    off = out_off // blk

    def body(*refs):
        x_ref, w_ref, b_ref = refs[0], refs[1], refs[2]
        o_ref = refs[-1]
        o_ref[...] = lax.dot_general(
            x_ref[...], w_ref[...],
            (((1,), (1,)), ((), ())),
            preferred_element_type=jnp.float32,
        ) + b_ref[...]

    in_specs = [
        pl.BlockSpec((blk, D), lambda i: (i, 0)),
        pl.BlockSpec((E, D), lambda i: (0, 0)),
        pl.BlockSpec((1, E), lambda i: (0, 0)),
    ]
    if alias_prev:
        in_specs.append(pl.BlockSpec(memory_space=pl.ANY))

    return pl.pallas_call(
        body,
        grid=(nblk,),
        in_specs=in_specs,
        out_specs=pl.BlockSpec((blk, E), lambda i: (i + off, 0)),
        out_shape=jax.ShapeDtypeStruct((out_B, E), jnp.float32),
        input_output_aliases={3: 0} if alias_prev else {},
    )


def kernel(t, pos_enc, W, b):
    B = t.shape[0]
    V, D = pos_enc.shape
    E = W.shape[0]
    embed = _make_sc_gather(B, V, D, 0)(t, pos_enc)
    return _make_tc_proj(B, D, E, 8192, B, 0, False)(embed, W, b.reshape(1, E))

# --- scband reference (transcript-rebuilt; emitter-appended) ---
"""Pipeline reference for scband-timestep-encoder-16303695855850 (READ-ONLY COPY).

The authoritative reference and input builder live on the scoring server;
editing this copy changes nothing except your own understanding.
"""

import jax, jax.numpy as jnp
import numpy as np
import math

MAX_TIME = 100000
HIDDEN_DIM = 256
EMBED_DIM = 128
BATCH = 16384


def _make_pos_enc(max_time, hidden_dim):
    position = jnp.arange(max_time, dtype=jnp.float32)[:, None]
    div_term = jnp.exp(jnp.arange(0, hidden_dim, 2, dtype=jnp.float32) * -(math.log(10000.0) / hidden_dim))
    pos_enc = jnp.zeros((max_time, hidden_dim), dtype=jnp.float32)
    pos_enc = pos_enc.at[:, 0::2].set(jnp.sin(position * div_term))
    pos_enc = pos_enc.at[:, 1::2].set(jnp.cos(position * div_term))
    return pos_enc


def setup_inputs(seed: int = 0) -> dict:
    key = jax.random.key(seed)
    k1, k2, k3 = jax.random.split(key, 3)
    pos_enc = _make_pos_enc(MAX_TIME, HIDDEN_DIM)
    bound = 1.0 / math.sqrt(HIDDEN_DIM)
    W = jax.random.uniform(k1, (EMBED_DIM, HIDDEN_DIM), dtype=jnp.float32, minval=-bound, maxval=bound)
    b = jax.random.uniform(k2, (EMBED_DIM,), dtype=jnp.float32, minval=-bound, maxval=bound)
    t = jax.random.randint(k3, (BATCH,), 0, MAX_TIME, dtype=jnp.int32)
    return {"t": t, "pos_enc": pos_enc, "W": W, "b": b}


def reference(t, pos_enc, W, b):
    # time_embed = self.pos_enc[t, :]  (gather / embedding lookup)
    time_embed = jnp.take(pos_enc, t, axis=0)
    # self.proj(time_embed) = time_embed @ W.T + b
    return time_embed @ W.T + b

if __name__ == "__main__":
    import jax
    _d = setup_inputs()
    print(jax.jit(kernel)(*tuple(_d.values())))

</pallas_src>

<mosaic_0001>
#map = affine_map<(d0, d1) -> (0)>
#map1 = affine_map<(d0, d1) -> (0, 0)>
module attributes {stable_mosaic.version = 14 : i64} {
  func.func @gather_kernel(%arg0: i32, %arg1: i32, %arg2: memref<16384xi32, #tpu.memory_space<hbm>>, %arg3: memref<100000x256xf32, #tpu.memory_space<hbm>>, %arg4: memref<16384x256xf32, #tpu.memory_space<hbm>>, %arg5: memref<512xi32, #tpu.memory_space<vmem>>, %arg6: memref<64x256xf32, #tpu.memory_space<vmem>>, %arg7: memref<64x256xf32, #tpu.memory_space<vmem>>, %arg8: memref<64x256xf32, #tpu.memory_space<vmem>>, %arg9: memref<64x256xf32, #tpu.memory_space<vmem>>, %arg10: memref<64x256xf32, #tpu.memory_space<vmem>>, %arg11: memref<64x256xf32, #tpu.memory_space<vmem>>, %arg12: memref<!tpu.dma_semaphore, #tpu.memory_space<semaphore_mem>>, %arg13: memref<!tpu.dma_semaphore, #tpu.memory_space<semaphore_mem>>, %arg14: memref<!tpu.dma_semaphore, #tpu.memory_space<semaphore_mem>>, %arg15: memref<!tpu.dma_semaphore, #tpu.memory_space<semaphore_mem>>, %arg16: memref<!tpu.dma_semaphore, #tpu.memory_space<semaphore_mem>>, %arg17: memref<!tpu.dma_semaphore, #tpu.memory_space<semaphore_mem>>, %arg18: memref<!tpu.dma_semaphore, #tpu.memory_space<semaphore_mem>>, %arg19: memref<!tpu.dma_semaphore, #tpu.memory_space<semaphore_mem>>, %arg20: memref<!tpu.dma_semaphore, #tpu.memory_space<semaphore_mem>>, %arg21: memref<!tpu.dma_semaphore, #tpu.memory_space<semaphore_mem>>, %arg22: memref<!tpu.dma_semaphore, #tpu.memory_space<semaphore_mem>>, %arg23: memref<!tpu.dma_semaphore, #tpu.memory_space<semaphore_mem>>) attributes {dimension_semantics = [#tpu.dimension_semantics<core_parallel>, #tpu.dimension_semantics<subcore_parallel>], iteration_bounds = array<i64: 2, 16>, scalar_prefetch = 0 : i64, scratch_operands = 19 : i64, tpu.core_type = #tpu.core_type<sc_vector_subcore>, window_params = [{transform_indices = #map}, {transform_indices = #map1}, {transform_indices = #map1}]} {
    %mul3A = arith.constant 2 : i32
    %mul3A_0 = arith.muli %arg1, %mul3A : i32
    %add3A = arith.addi %mul3A_0, %arg0 : i32
    %mul3A_1 = arith.constant 512 : i32
    %mul3A_2 = arith.muli %add3A, %mul3A_1 : i32
    %add3A_3 = arith.constant 0 : i32
    %add3A_4 = arith.addi %add3A_3, %mul3A_2 : i32
    "tpu.region"() ({
      %run_scoped3A = tpu.sem_alloc : memref<!tpu.dma_semaphore, #tpu.memory_space<semaphore_mem>>
      %dma_start3A_163 = tpu.memref_slice %arg2[%add3A_4] : memref<16384xi32, #tpu.memory_space<hbm>> -> memref<512xi32, #tpu.memory_space<hbm>>
      %dma_start3A_164 = tpu.memref_slice %arg2[%add3A_4] : memref<16384xi32, #tpu.memory_space<hbm>> -> memref<512xi32, #tpu.memory_space<hbm>>
      tpu.enqueue_dma source(%dma_start3A_164 : memref<512xi32, #tpu.memory_space<hbm>>) target(%arg5 : memref<512xi32, #tpu.memory_space<vmem>>) target_semaphore(%run_scoped3A : memref<!tpu.dma_semaphore, #tpu.memory_space<semaphore_mem>>)
      %dma_wait3A_165 = tpu.memref_slice %arg2[%add3A_4] : memref<16384xi32, #tpu.memory_space<hbm>> -> memref<512xi32, #tpu.memory_space<hbm>>
      %dma_wait3A_166 = tpu.memref_slice %arg2[%add3A_4] : memref<16384xi32, #tpu.memory_space<hbm>> -> memref<512xi32, #tpu.memory_space<hbm>>
      tpu.wait_dma2 semaphore(%run_scoped3A : memref<!tpu.dma_semaphore, #tpu.memory_space<semaphore_mem>>) src(%dma_wait3A_166 : memref<512xi32, #tpu.memory_space<hbm>>) dst(%arg5 : memref<512xi32, #tpu.memory_space<vmem>>)
      tpu.yield
    }) : () -> ()
    %dma_start3A = arith.constant 0 : i32
    %dma_start3A_5 = tpu.memref_slice %arg5[%dma_start3A] : memref<512xi32, #tpu.memory_space<vmem>> -> memref<64xi32, #tpu.memory_space<vmem>>
    %dma_start3A_6 = arith.constant 0 : i32
    %dma_start3A_7 = arith.constant 0 : i32
    %dma_start3A_8 = tpu.memref_slice %arg3[%dma_start3A_6, %dma_start3A_7] : memref<100000x256xf32, #tpu.memory_space<hbm>> -> memref<100000x256xf32, #tpu.memory_space<hbm>>
    tpu.enqueue_indirect_dma source(%dma_start3A_8 : memref<100000x256xf32, #tpu.memory_space<hbm>>) target(%arg6 : memref<64x256xf32, #tpu.memory_space<vmem>>) offsets(%dma_start3A_5 : memref<64xi32, #tpu.memory_space<vmem>>) semaphore(%arg12 : memref<!tpu.dma_semaphore, #tpu.memory_space<semaphore_mem>>)
    %dma_start3A_9 = arith.constant 64 : i32
    %dma_start3A_10 = tpu.memref_slice %arg5[%dma_start3A_9] : memref<512xi32, #tpu.memory_space<vmem>> -> memref<64xi32, #tpu.memory_space<vmem>>
    %dma_start3A_11 = arith.constant 0 : i32
    %dma_start3A_12 = arith.constant 0 : i32
    %dma_start3A_13 = tpu.memref_slice %arg3[%dma_start3A_11, %dma_start3A_12] : memref<100000x256xf32, #tpu.memory_space<hbm>> -> memref<100000x256xf32, #tpu.memory_space<hbm>>
    tpu.enqueue_indirect_dma source(%dma_start3A_13 : memref<100000x256xf32, #tpu.memory_space<hbm>>) target(%arg7 : memref<64x256xf32, #tpu.memory_space<vmem>>) offsets(%dma_start3A_10 : memref<64xi32, #tpu.memory_space<vmem>>) semaphore(%arg13 : memref<!tpu.dma_semaphore, #tpu.memory_space<semaphore_mem>>)
    %dma_start3A_14 = arith.constant 128 : i32
    %dma_start3A_15 = tpu.memref_slice %arg5[%dma_start3A_14] : memref<512xi32, #tpu.memory_space<vmem>> -> memref<64xi32, #tpu.memory_space<vmem>>
    %dma_start3A_16 = arith.constant 0 : i32
    %dma_start3A_17 = arith.constant 0 : i32
    %dma_start3A_18 = tpu.memref_slice %arg3[%dma_start3A_16, %dma_start3A_17] : memref<100000x256xf32, #tpu.memory_space<hbm>> -> memref<100000x256xf32, #tpu.memory_space<hbm>>
    tpu.enqueue_indirect_dma source(%dma_start3A_18 : memref<100000x256xf32, #tpu.memory_space<hbm>>) target(%arg8 : memref<64x256xf32, #tpu.memory_space<vmem>>) offsets(%dma_start3A_15 : memref<64xi32, #tpu.memory_space<vmem>>) semaphore(%arg14 : memref<!tpu.dma_semaphore, #tpu.memory_space<semaphore_mem>>)
    %dma_start3A_19 = arith.constant 192 : i32
    %dma_start3A_20 = tpu.memref_slice %arg5[%dma_start3A_19] : memref<512xi32, #tpu.memory_space<vmem>> -> memref<64xi32, #tpu.memory_space<vmem>>
    %dma_start3A_21 = arith.constant 0 : i32
    %dma_start3A_22 = arith.constant 0 : i32
    %dma_start3A_23 = tpu.memref_slice %arg3[%dma_start3A_21, %dma_start3A_22] : memref<100000x256xf32, #tpu.memory_space<hbm>> -> memref<100000x256xf32, #tpu.memory_space<hbm>>
    tpu.enqueue_indirect_dma source(%dma_start3A_23 : memref<100000x256xf32, #tpu.memory_space<hbm>>) target(%arg9 : memref<64x256xf32, #tpu.memory_space<vmem>>) offsets(%dma_start3A_20 : memref<64xi32, #tpu.memory_space<vmem>>) semaphore(%arg15 : memref<!tpu.dma_semaphore, #tpu.memory_space<semaphore_mem>>)
    %dma_start3A_24 = arith.constant 256 : i32
    %dma_start3A_25 = tpu.memref_slice %arg5[%dma_start3A_24] : memref<512xi32, #tpu.memory_space<vmem>> -> memref<64xi32, #tpu.memory_space<vmem>>
    %dma_start3A_26 = arith.constant 0 : i32
    %dma_start3A_27 = arith.constant 0 : i32
    %dma_start3A_28 = tpu.memref_slice %arg3[%dma_start3A_26, %dma_start3A_27] : memref<100000x256xf32, #tpu.memory_space<hbm>> -> memref<100000x256xf32, #tpu.memory_space<hbm>>
    tpu.enqueue_indirect_dma source(%dma_start3A_28 : memref<100000x256xf32, #tpu.memory_space<hbm>>) target(%arg10 : memref<64x256xf32, #tpu.memory_space<vmem>>) offsets(%dma_start3A_25 : memref<64xi32, #tpu.memory_space<vmem>>) semaphore(%arg16 : memref<!tpu.dma_semaphore, #tpu.memory_space<semaphore_mem>>)
    %dma_start3A_29 = arith.constant 320 : i32
    %dma_start3A_30 = tpu.memref_slice %arg5[%dma_start3A_29] : memref<512xi32, #tpu.memory_space<vmem>> -> memref<64xi32, #tpu.memory_space<vmem>>
    %dma_start3A_31 = arith.constant 0 : i32
    %dma_start3A_32 = arith.constant 0 : i32
    %dma_start3A_33 = tpu.memref_slice %arg3[%dma_start3A_31, %dma_start3A_32] : memref<100000x256xf32, #tpu.memory_space<hbm>> -> memref<100000x256xf32, #tpu.memory_space<hbm>>
    tpu.enqueue_indirect_dma source(%dma_start3A_33 : memref<100000x256xf32, #tpu.memory_space<hbm>>) target(%arg11 : memref<64x256xf32, #tpu.memory_space<vmem>>) offsets(%dma_start3A_30 : memref<64xi32, #tpu.memory_space<vmem>>) semaphore(%arg17 : memref<!tpu.dma_semaphore, #tpu.memory_space<semaphore_mem>>)
    %dma_wait3A = arith.constant 0 : i32
    %dma_wait3A_34 = tpu.memref_slice %arg5[%dma_wait3A] : memref<512xi32, #tpu.memory_space<vmem>> -> memref<64xi32, #tpu.memory_space<vmem>>
    %dma_wait3A_35 = arith.constant 0 : i32
    %dma_wait3A_36 = arith.constant 0 : i32
    %dma_wait3A_37 = tpu.memref_slice %arg3[%dma_wait3A_35, %dma_wait3A_36] : memref<100000x256xf32, #tpu.memory_space<hbm>> -> memref<100000x256xf32, #tpu.memory_space<hbm>>
    tpu.wait_indirect_dma semaphore(%arg12 : memref<!tpu.dma_semaphore, #tpu.memory_space<semaphore_mem>>) src(%dma_wait3A_37 : memref<100000x256xf32, #tpu.memory_space<hbm>>) dst(%arg6 : memref<64x256xf32, #tpu.memory_space<vmem>>)
    %add3A_38 = arith.constant 0 : i32
    %add3A_39 = arith.addi %mul3A_2, %add3A_38 : i32
    %dma_start3A_40 = arith.constant 0 : i32
    %dma_start3A_41 = tpu.memref_slice %arg4[%add3A_39, %dma_start3A_40] : memref<16384x256xf32, #tpu.memory_space<hbm>> -> memref<64x256xf32, #tpu.memory_space<hbm>>
    %dma_start3A_42 = arith.constant 0 : i32
    %dma_start3A_43 = tpu.memref_slice %arg4[%add3A_39, %dma_start3A_42] : memref<16384x256xf32, #tpu.memory_space<hbm>> -> memref<64x256xf32, #tpu.memory_space<hbm>>
    tpu.enqueue_dma source(%arg6 : memref<64x256xf32, #tpu.memory_space<vmem>>) target(%dma_start3A_43 : memref<64x256xf32, #tpu.memory_space<hbm>>) target_semaphore(%arg18 : memref<!tpu.dma_semaphore, #tpu.memory_space<semaphore_mem>>)
    %dma_wait3A_44 = arith.constant 0 : i32
    %dma_wait3A_45 = tpu.memref_slice %arg4[%add3A_39, %dma_wait3A_44] : memref<16384x256xf32, #tpu.memory_space<hbm>> -> memref<64x256xf32, #tpu.memory_space<hbm>>
    %dma_wait3A_46 = arith.constant 0 : i32
    %dma_wait3A_47 = tpu.memref_slice %arg4[%add3A_39, %dma_wait3A_46] : memref<16384x256xf32, #tpu.memory_space<hbm>> -> memref<64x256xf32, #tpu.memory_space<hbm>>
    tpu.wait_dma2 semaphore(%arg18 : memref<!tpu.dma_semaphore, #tpu.memory_space<semaphore_mem>>) src(%arg6 : memref<64x256xf32, #tpu.memory_space<vmem>>) dst(%dma_wait3A_47 : memref<64x256xf32, #tpu.memory_space<hbm>>)
    %dma_start3A_48 = arith.constant 384 : i32
    %dma_start3A_49 = tpu.memref_slice %arg5[%dma_start3A_48] : memref<512xi32, #tpu.memory_space<vmem>> -> memref<64xi32, #tpu.memory_space<vmem>>
    %dma_start3A_50 = arith.constant 0 : i32
    %dma_start3A_51 = arith.constant 0 : i32
    %dma_start3A_52 = tpu.memref_slice %arg3[%dma_start3A_50, %dma_start3A_51] : memref<100000x256xf32, #tpu.memory_space<hbm>> -> memref<100000x256xf32, #tpu.memory_space<hbm>>
    tpu.enqueue_indirect_dma source(%dma_start3A_52 : memref<100000x256xf32, #tpu.memory_space<hbm>>) target(%arg6 : memref<64x256xf32, #tpu.memory_space<vmem>>) offsets(%dma_start3A_49 : memref<64xi32, #tpu.memory_space<vmem>>) semaphore(%arg12 : memref<!tpu.dma_semaphore, #tpu.memory_space<semaphore_mem>>)
    %dma_wait3A_53 = arith.constant 64 : i32
    %dma_wait3A_54 = tpu.memref_slice %arg5[%dma_wait3A_53] : memref<512xi32, #tpu.memory_space<vmem>> -> memref<64xi32, #tpu.memory_space<vmem>>
    %dma_wait3A_55 = arith.constant 0 : i32
    %dma_wait3A_56 = arith.constant 0 : i32
    %dma_wait3A_57 = tpu.memref_slice %arg3[%dma_wait3A_55, %dma_wait3A_56] : memref<100000x256xf32, #tpu.memory_space<hbm>> -> memref<100000x256xf32, #tpu.memory_space<hbm>>
    tpu.wait_indirect_dma semaphore(%arg13 : memref<!tpu.dma_semaphore, #tpu.memory_space<semaphore_mem>>) src(%dma_wait3A_57 : memref<100000x256xf32, #tpu.memory_space<hbm>>) dst(%arg7 : memref<64x256xf32, #tpu.memory_space<vmem>>)
    %add3A_58 = arith.constant 64 : i32
    %add3A_59 = arith.addi %mul3A_2, %add3A_58 : i32
    %dma_start3A_60 = arith.constant 0 : i32
    %dma_start3A_61 = tpu.memref_slice %arg4[%add3A_59, %dma_start3A_60] : memref<16384x256xf32, #tpu.memory_space<hbm>> -> memref<64x256xf32, #tpu.memory_space<hbm>>
    %dma_start3A_62 = arith.constant 0 : i32
    %dma_start3A_63 = tpu.memref_slice %arg4[%add3A_59, %dma_start3A_62] : memref<16384x256xf32, #tpu.memory_space<hbm>> -> memref<64x256xf32, #tpu.memory_space<hbm>>
    tpu.enqueue_dma source(%arg7 : memref<64x256xf32, #tpu.memory_space<vmem>>) target(%dma_start3A_63 : memref<64x256xf32, #tpu.memory_space<hbm>>) target_semaphore(%arg19 : memref<!tpu.dma_semaphore, #tpu.memory_space<semaphore_mem>>)
    %dma_wait3A_64 = arith.constant 0 : i32
    %dma_wait3A_65 = tpu.memref_slice %arg4[%add3A_59, %dma_wait3A_64] : memref<16384x256xf32, #tpu.memory_space<hbm>> -> memref<64x256xf32, #tpu.memory_space<hbm>>
    %dma_wait3A_66 = arith.constant 0 : i32
    %dma_wait3A_67 = tpu.memref_slice %arg4[%add3A_59, %dma_wait3A_66] : memref<16384x256xf32, #tpu.memory_space<hbm>> -> memref<64x256xf32, #tpu.memory_space<hbm>>
    tpu.wait_dma2 semaphore(%arg19 : memref<!tpu.dma_semaphore, #tpu.memory_space<semaphore_mem>>) src(%arg7 : memref<64x256xf32, #tpu.memory_space<vmem>>) dst(%dma_wait3A_67 : memref<64x256xf32, #tpu.memory_space<hbm>>)
    %dma_start3A_68 = arith.constant 448 : i32
    %dma_start3A_69 = tpu.memref_slice %arg5[%dma_start3A_68] : memref<512xi32, #tpu.memory_space<vmem>> -> memref<64xi32, #tpu.memory_space<vmem>>
    %dma_start3A_70 = arith.constant 0 : i32
    %dma_start3A_71 = arith.constant 0 : i32
    %dma_start3A_72 = tpu.memref_slice %arg3[%dma_start3A_70, %dma_start3A_71] : memref<100000x256xf32, #tpu.memory_space<hbm>> -> memref<100000x256xf32, #tpu.memory_space<hbm>>
    tpu.enqueue_indirect_dma source(%dma_start3A_72 : memref<100000x256xf32, #tpu.memory_space<hbm>>) target(%arg7 : memref<64x256xf32, #tpu.memory_space<vmem>>) offsets(%dma_start3A_69 : memref<64xi32, #tpu.memory_space<vmem>>) semaphore(%arg13 : memref<!tpu.dma_semaphore, #tpu.memory_space<semaphore_mem>>)
    %dma_wait3A_73 = arith.constant 128 : i32
    %dma_wait3A_74 = tpu.memref_slice %arg5[%dma_wait3A_73] : memref<512xi32, #tpu.memory_space<vmem>> -> memref<64xi32, #tpu.memory_space<vmem>>
    %dma_wait3A_75 = arith.constant 0 : i32
    %dma_wait3A_76 = arith.constant 0 : i32
    %dma_wait3A_77 = tpu.memref_slice %arg3[%dma_wait3A_75, %dma_wait3A_76] : memref<100000x256xf32, #tpu.memory_space<hbm>> -> memref<100000x256xf32, #tpu.memory_space<hbm>>
    tpu.wait_indirect_dma semaphore(%arg14 : memref<!tpu.dma_semaphore, #tpu.memory_space<semaphore_mem>>) src(%dma_wait3A_77 : memref<100000x256xf32, #tpu.memory_space<hbm>>) dst(%arg8 : memref<64x256xf32, #tpu.memory_space<vmem>>)
    %add3A_78 = arith.constant 128 : i32
    %add3A_79 = arith.addi %mul3A_2, %add3A_78 : i32
    %dma_start3A_80 = arith.constant 0 : i32
    %dma_start3A_81 = tpu.memref_slice %arg4[%add3A_79, %dma_start3A_80] : memref<16384x256xf32, #tpu.memory_space<hbm>> -> memref<64x256xf32, #tpu.memory_space<hbm>>
    %dma_start3A_82 = arith.constant 0 : i32
    %dma_start3A_83 = tpu.memref_slice %arg4[%add3A_79, %dma_start3A_82] : memref<16384x256xf32, #tpu.memory_space<hbm>> -> memref<64x256xf32, #tpu.memory_space<hbm>>
    tpu.enqueue_dma source(%arg8 : memref<64x256xf32, #tpu.memory_space<vmem>>) target(%dma_start3A_83 : memref<64x256xf32, #tpu.memory_space<hbm>>) target_semaphore(%arg20 : memref<!tpu.dma_semaphore, #tpu.memory_space<semaphore_mem>>)
    %dma_wait3A_84 = arith.constant 192 : i32
    %dma_wait3A_85 = tpu.memref_slice %arg5[%dma_wait3A_84] : memref<512xi32, #tpu.memory_space<vmem>> -> memref<64xi32, #tpu.memory_space<vmem>>
    %dma_wait3A_86 = arith.constant 0 : i32
    %dma_wait3A_87 = arith.constant 0 : i32
    %dma_wait3A_88 = tpu.memref_slice %arg3[%dma_wait3A_86, %dma_wait3A_87] : memref<100000x256xf32, #tpu.memory_space<hbm>> -> memref<100000x256xf32, #tpu.memory_space<hbm>>
    tpu.wait_indirect_dma semaphore(%arg15 : memref<!tpu.dma_semaphore, #tpu.memory_space<semaphore_mem>>) src(%dma_wait3A_88 : memref<100000x256xf32, #tpu.memory_space<hbm>>) dst(%arg9 : memref<64x256xf32, #tpu.memory_space<vmem>>)
    %add3A_89 = arith.constant 192 : i32
    %add3A_90 = arith.addi %mul3A_2, %add3A_89 : i32
    %dma_start3A_91 = arith.constant 0 : i32
    %dma_start3A_92 = tpu.memref_slice %arg4[%add3A_90, %dma_start3A_91] : memref<16384x256xf32, #tpu.memory_space<hbm>> -> memref<64x256xf32, #tpu.memory_space<hbm>>
    %dma_start3A_93 = arith.constant 0 : i32
    %dma_start3A_94 = tpu.memref_slice %arg4[%add3A_90, %dma_start3A_93] : memref<16384x256xf32, #tpu.memory_space<hbm>> -> memref<64x256xf32, #tpu.memory_space<hbm>>
    tpu.enqueue_dma source(%arg9 : memref<64x256xf32, #tpu.memory_space<vmem>>) target(%dma_start3A_94 : memref<64x256xf32, #tpu.memory_space<hbm>>) target_semaphore(%arg21 : memref<!tpu.dma_semaphore, #tpu.memory_space<semaphore_mem>>)
    %dma_wait3A_95 = arith.constant 256 : i32
    %dma_wait3A_96 = tpu.memref_slice %arg5[%dma_wait3A_95] : memref<512xi32, #tpu.memory_space<vmem>> -> memref<64xi32, #tpu.memory_space<vmem>>
    %dma_wait3A_97 = arith.constant 0 : i32
    %dma_wait3A_98 = arith.constant 0 : i32
    %dma_wait3A_99 = tpu.memref_slice %arg3[%dma_wait3A_97, %dma_wait3A_98] : memref<100000x256xf32, #tpu.memory_space<hbm>> -> memref<100000x256xf32, #tpu.memory_space<hbm>>
    tpu.wait_indirect_dma semaphore(%arg16 : memref<!tpu.dma_semaphore, #tpu.memory_space<semaphore_mem>>) src(%dma_wait3A_99 : memref<100000x256xf32, #tpu.memory_space<hbm>>) dst(%arg10 : memref<64x256xf32, #tpu.memory_space<vmem>>)
    %add3A_100 = arith.constant 256 : i32
    %add3A_101 = arith.addi %mul3A_2, %add3A_100 : i32
    %dma_start3A_102 = arith.constant 0 : i32
    %dma_start3A_103 = tpu.memref_slice %arg4[%add3A_101, %dma_start3A_102] : memref<16384x256xf32, #tpu.memory_space<hbm>> -> memref<64x256xf32, #tpu.memory_space<hbm>>
    %dma_start3A_104 = arith.constant 0 : i32
    %dma_start3A_105 = tpu.memref_slice %arg4[%add3A_101, %dma_start3A_104] : memref<16384x256xf32, #tpu.memory_space<hbm>> -> memref<64x256xf32, #tpu.memory_space<hbm>>
    tpu.enqueue_dma source(%arg10 : memref<64x256xf32, #tpu.memory_space<vmem>>) target(%dma_start3A_105 : memref<64x256xf32, #tpu.memory_space<hbm>>) target_semaphore(%arg22 : memref<!tpu.dma_semaphore, #tpu.memory_space<semaphore_mem>>)
    %dma_wait3A_106 = arith.constant 320 : i32
    %dma_wait3A_107 = tpu.memref_slice %arg5[%dma_wait3A_106] : memref<512xi32, #tpu.memory_space<vmem>> -> memref<64xi32, #tpu.memory_space<vmem>>
    %dma_wait3A_108 = arith.constant 0 : i32
    %dma_wait3A_109 = arith.constant 0 : i32
    %dma_wait3A_110 = tpu.memref_slice %arg3[%dma_wait3A_108, %dma_wait3A_109] : memref<100000x256xf32, #tpu.memory_space<hbm>> -> memref<100000x256xf32, #tpu.memory_space<hbm>>
    tpu.wait_indirect_dma semaphore(%arg17 : memref<!tpu.dma_semaphore, #tpu.memory_space<semaphore_mem>>) src(%dma_wait3A_110 : memref<100000x256xf32, #tpu.memory_space<hbm>>) dst(%arg11 : memref<64x256xf32, #tpu.memory_space<vmem>>)
    %add3A_111 = arith.constant 320 : i32
    %add3A_112 = arith.addi %mul3A_2, %add3A_111 : i32
    %dma_start3A_113 = arith.constant 0 : i32
    %dma_start3A_114 = tpu.memref_slice %arg4[%add3A_112, %dma_start3A_113] : memref<16384x256xf32, #tpu.memory_space<hbm>> -> memref<64x256xf32, #tpu.memory_space<hbm>>
    %dma_start3A_115 = arith.constant 0 : i32
    %dma_start3A_116 = tpu.memref_slice %arg4[%add3A_112, %dma_start3A_115] : memref<16384x256xf32, #tpu.memory_space<hbm>> -> memref<64x256xf32, #tpu.memory_space<hbm>>
    tpu.enqueue_dma source(%arg11 : memref<64x256xf32, #tpu.memory_space<vmem>>) target(%dma_start3A_116 : memref<64x256xf32, #tpu.memory_space<hbm>>) target_semaphore(%arg23 : memref<!tpu.dma_semaphore, #tpu.memory_space<semaphore_mem>>)
    %dma_wait3A_117 = arith.constant 384 : i32
    %dma_wait3A_118 = tpu.memref_slice %arg5[%dma_wait3A_117] : memref<512xi32, #tpu.memory_space<vmem>> -> memref<64xi32, #tpu.memory_space<vmem>>
    %dma_wait3A_119 = arith.constant 0 : i32
    %dma_wait3A_120 = arith.constant 0 : i32
    %dma_wait3A_121 = tpu.memref_slice %arg3[%dma_wait3A_119, %dma_wait3A_120] : memref<100000x256xf32, #tpu.memory_space<hbm>> -> memref<100000x256xf32, #tpu.memory_space<hbm>>
    tpu.wait_indirect_dma semaphore(%arg12 : memref<!tpu.dma_semaphore, #tpu.memory_space<semaphore_mem>>) src(%dma_wait3A_121 : memref<100000x256xf32, #tpu.memory_space<hbm>>) dst(%arg6 : memref<64x256xf32, #tpu.memory_space<vmem>>)
    %add3A_122 = arith.constant 384 : i32
    %add3A_123 = arith.addi %mul3A_2, %add3A_122 : i32
    %dma_start3A_124 = arith.constant 0 : i32
    %dma_start3A_125 = tpu.memref_slice %arg4[%add3A_123, %dma_start3A_124] : memref<16384x256xf32, #tpu.memory_space<hbm>> -> memref<64x256xf32, #tpu.memory_space<hbm>>
    %dma_start3A_126 = arith.constant 0 : i32
    %dma_start3A_127 = tpu.memref_slice %arg4[%add3A_123, %dma_start3A_126] : memref<16384x256xf32, #tpu.memory_space<hbm>> -> memref<64x256xf32, #tpu.memory_space<hbm>>
    tpu.enqueue_dma source(%arg6 : memref<64x256xf32, #tpu.memory_space<vmem>>) target(%dma_start3A_127 : memref<64x256xf32, #tpu.memory_space<hbm>>) target_semaphore(%arg18 : memref<!tpu.dma_semaphore, #tpu.memory_space<semaphore_mem>>)
    %dma_wait3A_128 = arith.constant 448 : i32
    %dma_wait3A_129 = tpu.memref_slice %arg5[%dma_wait3A_128] : memref<512xi32, #tpu.memory_space<vmem>> -> memref<64xi32, #tpu.memory_space<vmem>>
    %dma_wait3A_130 = arith.constant 0 : i32
    %dma_wait3A_131 = arith.constant 0 : i32
    %dma_wait3A_132 = tpu.memref_slice %arg3[%dma_wait3A_130, %dma_wait3A_131] : memref<100000x256xf32, #tpu.memory_space<hbm>> -> memref<100000x256xf32, #tpu.memory_space<hbm>>
    tpu.wait_indirect_dma semaphore(%arg13 : memref<!tpu.dma_semaphore, #tpu.memory_space<semaphore_mem>>) src(%dma_wait3A_132 : memref<100000x256xf32, #tpu.memory_space<hbm>>) dst(%arg7 : memref<64x256xf32, #tpu.memory_space<vmem>>)
    %add3A_133 = arith.constant 448 : i32
    %add3A_134 = arith.addi %mul3A_2, %add3A_133 : i32
    %dma_start3A_135 = arith.constant 0 : i32
    %dma_start3A_136 = tpu.memref_slice %arg4[%add3A_134, %dma_start3A_135] : memref<16384x256xf32, #tpu.memory_space<hbm>> -> memref<64x256xf32, #tpu.memory_space<hbm>>
    %dma_start3A_137 = arith.constant 0 : i32
    %dma_start3A_138 = tpu.memref_slice %arg4[%add3A_134, %dma_start3A_137] : memref<16384x256xf32, #tpu.memory_space<hbm>> -> memref<64x256xf32, #tpu.memory_space<hbm>>
    tpu.enqueue_dma source(%arg7 : memref<64x256xf32, #tpu.memory_space<vmem>>) target(%dma_start3A_138 : memref<64x256xf32, #tpu.memory_space<hbm>>) target_semaphore(%arg19 : memref<!tpu.dma_semaphore, #tpu.memory_space<semaphore_mem>>)
    %dma_wait3A_139 = arith.constant 0 : i32
    %dma_wait3A_140 = tpu.memref_slice %arg4[%add3A_79, %dma_wait3A_139] : memref<16384x256xf32, #tpu.memory_space<hbm>> -> memref<64x256xf32, #tpu.memory_space<hbm>>
    %dma_wait3A_141 = arith.constant 0 : i32
    %dma_wait3A_142 = tpu.memref_slice %arg4[%add3A_79, %dma_wait3A_141] : memref<16384x256xf32, #tpu.memory_space<hbm>> -> memref<64x256xf32, #tpu.memory_space<hbm>>
    tpu.wait_dma2 semaphore(%arg20 : memref<!tpu.dma_semaphore, #tpu.memory_space<semaphore_mem>>) src(%arg8 : memref<64x256xf32, #tpu.memory_space<vmem>>) dst(%dma_wait3A_142 : memref<64x256xf32, #tpu.memory_space<hbm>>)
    %dma_wait3A_143 = arith.constant 0 : i32
    %dma_wait3A_144 = tpu.memref_slice %arg4[%add3A_90, %dma_wait3A_143] : memref<16384x256xf32, #tpu.memory_space<hbm>> -> memref<64x256xf32, #tpu.memory_space<hbm>>
    %dma_wait3A_145 = arith.constant 0 : i32
    %dma_wait3A_146 = tpu.memref_slice %arg4[%add3A_90, %dma_wait3A_145] : memref<16384x256xf32, #tpu.memory_space<hbm>> -> memref<64x256xf32, #tpu.memory_space<hbm>>
    tpu.wait_dma2 semaphore(%arg21 : memref<!tpu.dma_semaphore, #tpu.memory_space<semaphore_mem>>) src(%arg9 : memref<64x256xf32, #tpu.memory_space<vmem>>) dst(%dma_wait3A_146 : memref<64x256xf32, #tpu.memory_space<hbm>>)
    %dma_wait3A_147 = arith.constant 0 : i32
    %dma_wait3A_148 = tpu.memref_slice %arg4[%add3A_101, %dma_wait3A_147] : memref<16384x256xf32, #tpu.memory_space<hbm>> -> memref<64x256xf32, #tpu.memory_space<hbm>>
    %dma_wait3A_149 = arith.constant 0 : i32
    %dma_wait3A_150 = tpu.memref_slice %arg4[%add3A_101, %dma_wait3A_149] : memref<16384x256xf32, #tpu.memory_space<hbm>> -> memref<64x256xf32, #tpu.memory_space<hbm>>
    tpu.wait_dma2 semaphore(%arg22 : memref<!tpu.dma_semaphore, #tpu.memory_space<semaphore_mem>>) src(%arg10 : memref<64x256xf32, #tpu.memory_space<vmem>>) dst(%dma_wait3A_150 : memref<64x256xf32, #tpu.memory_space<hbm>>)
    %dma_wait3A_151 = arith.constant 0 : i32
    %dma_wait3A_152 = tpu.memref_slice %arg4[%add3A_112, %dma_wait3A_151] : memref<16384x256xf32, #tpu.memory_space<hbm>> -> memref<64x256xf32, #tpu.memory_space<hbm>>
    %dma_wait3A_153 = arith.constant 0 : i32
    %dma_wait3A_154 = tpu.memref_slice %arg4[%add3A_112, %dma_wait3A_153] : memref<16384x256xf32, #tpu.memory_space<hbm>> -> memref<64x256xf32, #tpu.memory_space<hbm>>
    tpu.wait_dma2 semaphore(%arg23 : memref<!tpu.dma_semaphore, #tpu.memory_space<semaphore_mem>>) src(%arg11 : memref<64x256xf32, #tpu.memory_space<vmem>>) dst(%dma_wait3A_154 : memref<64x256xf32, #tpu.memory_space<hbm>>)
    %dma_wait3A_155 = arith.constant 0 : i32
    %dma_wait3A_156 = tpu.memref_slice %arg4[%add3A_123, %dma_wait3A_155] : memref<16384x256xf32, #tpu.memory_space<hbm>> -> memref<64x256xf32, #tpu.memory_space<hbm>>
    %dma_wait3A_157 = arith.constant 0 : i32
    %dma_wait3A_158 = tpu.memref_slice %arg4[%add3A_123, %dma_wait3A_157] : memref<16384x256xf32, #tpu.memory_space<hbm>> -> memref<64x256xf32, #tpu.memory_space<hbm>>
    tpu.wait_dma2 semaphore(%arg18 : memref<!tpu.dma_semaphore, #tpu.memory_space<semaphore_mem>>) src(%arg6 : memref<64x256xf32, #tpu.memory_space<vmem>>) dst(%dma_wait3A_158 : memref<64x256xf32, #tpu.memory_space<hbm>>)
    %dma_wait3A_159 = arith.constant 0 : i32
    %dma_wait3A_160 = tpu.memref_slice %arg4[%add3A_134, %dma_wait3A_159] : memref<16384x256xf32, #tpu.memory_space<hbm>> -> memref<64x256xf32, #tpu.memory_space<hbm>>
    %dma_wait3A_161 = arith.constant 0 : i32
    %dma_wait3A_162 = tpu.memref_slice %arg4[%add3A_134, %dma_wait3A_161] : memref<16384x256xf32, #tpu.memory_space<hbm>> -> memref<64x256xf32, #tpu.memory_space<hbm>>
    tpu.wait_dma2 semaphore(%arg19 : memref<!tpu.dma_semaphore, #tpu.memory_space<semaphore_mem>>) src(%arg7 : memref<64x256xf32, #tpu.memory_space<vmem>>) dst(%dma_wait3A_162 : memref<64x256xf32, #tpu.memory_space<hbm>>)
    return
  }
}

module attributes {stable_mosaic.version = 14 : i64} {
  func.func @body(%arg0: i32, %arg1: memref<8192x256xf32, #tpu.memory_space<vmem>>, %arg2: memref<128x256xf32, #tpu.memory_space<vmem>>, %arg3: memref<1x128xf32, #tpu.memory_space<vmem>>, %arg4: memref<8192x128xf32, #tpu.memory_space<vmem>>) attributes {dimension_semantics = [#tpu.dimension_semantics<arbitrary>], iteration_bounds = array<i64: 2>, scalar_prefetch = 0 : i64, scratch_operands = 0 : i64, tpu.core_type = #tpu.core_type<tc>, window_params = [{transform_indices = @transform_0, window_bounds = array<i64: 8192, 256>}, {pipeline_mode = #tpu.pipeline_mode<synchronous>, transform_indices = @transform_1, window_bounds = array<i64: 128, 256>}, {pipeline_mode = #tpu.pipeline_mode<synchronous>, transform_indices = @transform_2, window_bounds = array<i64: 1, 128>}, {transform_indices = @transform_3, window_bounds = array<i64: 8192, 128>}]} {
    %get3A = arith.constant 0 : index
    %get3A_0 = arith.constant 0 : index
    %get3A_1 = vector.load %arg1[%get3A, %get3A_0] : memref<8192x256xf32, #tpu.memory_space<vmem>>, vector<8192x256xf32>
    %get3A_2 = arith.constant 0 : index
    %get3A_3 = arith.constant 0 : index
    %get3A_4 = vector.load %arg2[%get3A_2, %get3A_3] : memref<128x256xf32, #tpu.memory_space<vmem>>, vector<128x256xf32>
    %dot_general3A = arith.constant dense<0.000000e+00> : vector<8192x128xf32>
    %dot_general3A_5 = tpu.matmul %get3A_1, %get3A_4, %dot_general3A {dimension_numbers = #tpu.dot_dimension_numbers<[1], [1], [0], [0], [0, 0, 1, 0], [], []>, transpose_lhs_hint = false} : vector<8192x256xf32>, vector<128x256xf32>, vector<8192x128xf32> -> vector<8192x128xf32>
    %get3A_6 = arith.constant 0 : index
    %get3A_7 = arith.constant 0 : index
    %get3A_8 = vector.load %arg3[%get3A_6, %get3A_7] : memref<1x128xf32, #tpu.memory_space<vmem>>, vector<1x128xf32>
    %add3A = vector.broadcast %get3A_8 : vector<1x128xf32> to vector<8192x128xf32>
    %add3A_9 = arith.addf %dot_general3A_5, %add3A : vector<8192x128xf32>
    %swap3A = arith.constant 0 : index
    %swap3A_10 = arith.constant 0 : index
    %swap3A_11 = vector.load %arg4[%swap3A, %swap3A_10] : memref<8192x128xf32, #tpu.memory_space<vmem>>, vector<8192x128xf32>
    tpu.vector_store %arg4[%swap3A, %swap3A_10], %add3A_9 {strides = array<i32>} : memref<8192x128xf32, #tpu.memory_space<vmem>>, vector<8192x128xf32>,
    return
  }
  func.func @transform_0(%arg0: i32) -> (i32, i32) {
    %c0_i32 = arith.constant 0 : i32
    %c0_i32_0 = arith.constant 0 : i32
    return %arg0, %c0_i32 : i32, i32
  }
  func.func @transform_1(%arg0: i32) -> (i32, i32) {
    %c0_i32 = arith.constant 0 : i32
    %c0_i32_0 = arith.constant 0 : i32
    %c0_i32_1 = arith.constant 0 : i32
    return %c0_i32, %c0_i32_0 : i32, i32
  }
  func.func @transform_2(%arg0: i32) -> (i32, i32) {
    %c0_i32 = arith.constant 0 : i32
    %c0_i32_0 = arith.constant 0 : i32
    %c0_i32_1 = arith.constant 0 : i32
    return %c0_i32, %c0_i32_0 : i32, i32
  }
  func.func @transform_3(%arg0: i32) -> (i32, i32) {
    %add3A = arith.constant 0 : i32
    %add3A_0 = arith.addi %arg0, %add3A : i32
    %c0_i32 = arith.constant 0 : i32
    %c0_i32_1 = arith.constant 0 : i32
    return %add3A_0, %c0_i32 : i32, i32
  }
}

</mosaic_0001>

<sc_bundles>
// kernel: kernel.4.cloned.1.call-start
scs
__scs_entry_jumppad:
0x0: {  	(pc) =	sbr.rel $0x88, $3  }
0x1: {  	(tag) =	ssettag $0x0;
	lr =	simm.s32 $0x1  }
0x2: {  	[smem:$0x3F9D] =	sst lr;
	_ =	strace $0xD0000000  }
0x3: {  	_ = 	snop  }
0x4: {  	_ = 	snop  }
0x5: {  	_ = 	snop  }
0x6: {  	_ = 	snop  }
0x7: {  	_ = 	snop  }
__scs_overlays_trampoline_lowered:
0x8: {  	[smem:$0x3FAC] =	sst s0  }
0x9: {  	[smem:$0x3FAD] =	sst s1  }
0xa: {  	[smem:$0x3FAE] =	sst s2  }
0xb: {  	[smem:$0x3FAF] =	sst s3  }
0xc: {  	[smem:$0x3FB0] =	sst s4  }
0xd: {  	[smem:$0x3FB1] =	sst s5  }
0xe: {  	[smem:$0x3FB2] =	sst s6  }
0xf: {  	[smem:$0x3FB3] =	sst s7  }
0x10: {  	[smem:$0x3FB4] =	sst s8  }
0x11: {  	[smem:$0x3FB5] =	sst s9;
	s0 =	simm.s32 @!p0 $0x0  }
0x12: {  	s1 =	sld [smem:$0x3F9B];
	s0 =	simm.s32 @p0 $0x1  }
0x13: {  	[smem:$0x3FB6] =	sst s0;
	s0 =	simm.s32 @!p1 $0x0  }
0x14: {  	s2 =	sld [smem:$0x3F9A];
	s0 =	simm.s32 @p1 $0x1  }
0x15: {  	[smem:$0x3FB7] =	sst s0;
	s0 =	simm.s32 @!p2 $0x0  }
0x16: {  	s3 =	sld [smem:$0x3FDB];
	s0 =	simm.s32 @p2 $0x1  }
0x17: {  	s4 =	simm.s32 $0x1BF5;
	[smem:$0x3FB9] =	sst s0  }
0x18: {  	s0 =	sld [smem:$0x3F9C];
	_ =	swait.ge [sflag:s4], $0x0  }
0x19: {  	s7 =	sld [smem:$0x3F9D]  }
0x1a: {  	s8 =	sadd.s32 $0xFFFFE003, lr  }
0x1b: {  	s9 =	sadd.s32 $0xFFFFFEF7, lr;
	s5 =	simm.s32 $0xFFFFFFFF;
	p2 =	slt.u32 s8, $0xFFFFF086  }
0x1c: {  	p1 =	slt.u32 s9, $0xF7A;
	s5 =	simm.s32 @!p2 $0x0  }
0x1d: {  	s5 =	simm.s32 @p1 $0x1;
	p0 =	seq.s32 s7, s2  }
0x1e: {  	s7 =	smul.u32 @!p0 $0xF7A, s2;
	p2 =	seq.s32 @!p0 s5, $0x0  }
0x1f: {  	s9 =	smul.u32 $0xF7A, s1;
	s8 =	simm.s32 @!p0 $0x1BF5;
	p2 =	por !p2, p0  }
0x20: {  	[sflag:s8] =	ssyncset.s32 @!p0 $0xFFFFF086;
	s6 =	sadd.s32 @!p0 s3, s7;
	s7 =	simm.s32 @!p0 $0x108  }
0x21: {  	s3 =	sadd.s32 s3, s9;
	s6 =	sadd.s32 @!p0 $0x88, s6;
	s7 =	simm.s32 @p2 $0x1082  }
0x22: {  	[simem:s7], [sflag:s8] =	dma.local @!p0 [hbm:s6], $0xF7A  }
0x23: {  	s9 =	sor.u32 $0xD0000000, s2;
	s6 =	simm.s32 $0x108;
	_ =	swait.ge @!p0 [sflag:s8], $0x0  }
0x24: {  	s3 =	sadd.s32 $0x88, s3;
	s6 =	simm.s32 @!p1 $0x1082;
	[sflag:s4] =	ssyncset.s32 $0xFFFFF086  }
0x25: {  	[simem:s6], [sflag:s4] =	dma.local [hbm:s3], $0xF7A  }
0x26: {  	[smem:$0x3F9D] =	sst s1;
	(tag) =	ssettag s2;
	_ =	strace s9  }
0x27: {  	s1 =	sld [smem:$0x3FAD]  }
0x28: {  	s2 =	sld [smem:$0x3FAE]  }
0x29: {  	s4 =	sld [smem:$0x3FB0]  }
0x2a: {  	p0 =	seq.s32 s5, $0x0;
	s5 =	sld [smem:$0x3FB1]  }
0x2b: {  	s6 =	sld [smem:$0x3FB2]  }
0x2c: {  	s7 =	sld [smem:$0x3FB3]  }
0x2d: {  	s3 =	simm.s32 $0x108;
	s8 =	sld [smem:$0x3FB4]  }
0x2e: {  	s3 =	simm.s32 @!p0 $0x1082;
	s9 =	sld [smem:$0x3FB5]  }
0x2f: {  	lr =	sadd.s32 s0, s3;
	s0 =	sld [smem:$0x3FAC]  }
0x30: {  	s3 =	sld [smem:$0x3FAF]  }
0x31: {  	[smem:$0x3FB8] =	sst s10  }
0x32: {  	s10 =	sld [smem:$0x3FB6];
	_ =	sdelay $0x3  }
0x33: {  	p0 =	seq.s32 s10, $0x1;
	s10 =	sld [smem:$0x3FB8];
	_ =	sdelay $0x3  }
0x34: {  	[smem:$0x3FB8] =	sst s10  }
0x35: {  	s10 =	sld [smem:$0x3FB7];
	_ =	sdelay $0x3  }
0x36: {  	p1 =	seq.s32 s10, $0x1;
	s10 =	sld [smem:$0x3FB8];
	_ =	sdelay $0x3  }
0x37: {  	[smem:$0x3FB8] =	sst s10  }
0x38: {  	s10 =	sld [smem:$0x3FB9]  }
0x39: {  	_ = 	snop;
	(pc) =	sbr.ind lr, $3  }
0x3a: {  	_ = 	snop  }
0x3b: {  	_ = 	snop  }
0x3c: {  	p2 =	seq.s32 s10, $0x1;
	s10 =	sld [smem:$0x3FB8]  }
0x3d: {  	_ =	shalt  }
0x3e: {  	_ =	shalt  }
0x3f: {  	_ =	shalt  }
0x40: {  	_ =	shalt  }
0x41: {  	_ =	shalt  }
0x42: {  	_ =	shalt  }
0x43: {  	_ =	shalt  }
0x44: {  	_ =	shalt  }
0x45: {  	_ =	shalt  }
0x46: {  	_ =	shalt  }
0x47: {  	_ =	shalt  }
0x48: {  	_ =	shalt  }
0x49: {  	_ =	shalt  }
0x4a: {  	_ =	shalt  }
0x4b: {  	_ =	shalt  }
0x4c: {  	_ =	shalt  }
0x4d: {  	_ =	shalt  }
0x4e: {  	_ =	shalt  }
0x4f: {  	_ =	shalt  }
0x50: {  	_ =	shalt  }
0x51: {  	_ =	shalt  }
0x52: {  	_ =	shalt  }
0x53: {  	_ =	shalt  }
0x54: {  	_ =	shalt  }
0x55: {  	_ =	shalt  }
0x56: {  	_ =	shalt  }
0x57: {  	_ =	shalt  }
0x58: {  	_ =	shalt  }
0x59: {  	_ =	shalt  }
0x5a: {  	_ =	shalt  }
0x5b: {  	_ =	shalt  }
0x5c: {  	_ =	shalt  }
0x5d: {  	_ =	shalt  }
0x5e: {  	_ =	shalt  }
0x5f: {  	_ =	shalt  }
0x60: {  	_ =	shalt  }
0x61: {  	_ =	shalt  }
0x62: {  	_ =	shalt  }
0x63: {  	_ =	shalt  }
0x64: {  	_ =	shalt  }
0x65: {  	_ =	shalt  }
0x66: {  	_ =	shalt  }
0x67: {  	_ =	shalt  }
0x68: {  	_ =	shalt  }
0x69: {  	_ =	shalt  }
0x6a: {  	_ =	shalt  }
0x6b: {  	_ =	shalt  }
0x6c: {  	_ =	shalt  }
0x6d: {  	_ =	shalt  }
0x6e: {  	_ =	shalt  }
0x6f: {  	_ =	shalt  }
0x70: {  	_ =	shalt  }
0x71: {  	_ =	shalt  }
0x72: {  	_ =	shalt  }
0x73: {  	_ =	shalt  }
0x74: {  	_ =	shalt  }
0x75: {  	_ =	shalt  }
0x76: {  	_ =	shalt  }
0x77: {  	_ =	shalt  }
0x78: {  	_ =	shalt  }
0x79: {  	_ =	shalt  }
0x7a: {  	_ =	shalt  }
0x7b: {  	_ =	shalt  }
0x7c: {  	_ =	shalt  }
0x7d: {  	_ =	shalt  }
0x7e: {  	_ =	shalt  }
0x7f: {  	_ =	shalt  }
0x80: {  	_ =	shalt  }
0x81: {  	_ =	shalt  }
0x82: {  	_ =	shalt  }
0x83: {  	_ =	shalt  }
0x84: {  	_ =	shalt  }
0x85: {  	_ =	shalt  }
0x86: {  	_ =	shalt  }
0x87: {  	_ =	shalt  }
.Lfunc_end0:
.L_simem_size_0:
called_computation_lowered:
.L_overlay_start_0:
0x88: {  	s2 =	sld [smem:$0x3FD9]  }
0x89: {  	s3 =	sld [smem:$0x3FFE];
	_ =	sdelay $0x1  }
0x8a: {  	s1 =	srdreg.scid  }
0x8b: {  	s0 =	sand.u32 $0x1, s1  }
0x8c: {  	s17 =	sshll.u32 s0, $0xA;
	s2 =	sadd.s32 s3, s2  }
0x8d: {  	s2 =	sadd.s32 s2, s17  }
0x8e: {  	[smem:$0x3FC4] =	sst s2  }
0x8f: {  	_ = 	snop  }
0x90: {  	s2 =	sld [smem:$0x3FC9]  }
0x91: {  	s18 =	sld [smem:$0x3FC8];
	(tm) =	ssettm $0x1  }
0x92: {  	s4 =	sld [smem:$0x3FFB];
	_ =	sdelay $0x3  }
0x93: {  	_ =	strace s4  }
0x94: {  	s4 =	sld [smem:$0x3FFC];
	_ =	sdelay $0x3  }
0x95: {  	_ =	strace s4  }
0x96: {  	s4 =	sld [smem:$0x3FFD];
	_ =	sdelay $0x3  }
0x97: {  	_ =	strace s4  }
0x98: {  	_ =	strace $0x8FFFFFFF  }
0x99: {  	s19 =	sld [smem:$0x3FDB];
	_ =	sdelay $0x1  }
0x9a: {  	s5 =	simm.s32 $_scs_section_size  }
0x9b: {  	s6 =	simm.s32 $_size__tile_overlayer_lowered;
	s7 =	simm.s32 $_tile_overlayer_lowered  }
0x9c: {  	s22 =	simm.s32 $0x1BFF;
	s21 =	sshll.u32 s7, $0x1;
	s4 =	sadd.s32 s5, s19  }
0x9d: {  	s8 =	simm.s32 $0x0;
	s20 =	sshll.u32 s6, $0x1;
	s6 =	sadd.s32 s21, s4  }
0x9e: {  	[timem:s8], [sflag:s22] =	dma.local [hbm:s6], s20  }
0x9f: {  	_ =	swait.ge [sflag:s22], s20  }
0xa0: {  	s5 =	ssub.s32 $0x0, s20;
	[sflag:s22] =	ssyncset.done $0x0  }
0xa1: {  	[sflag:s22] =	ssyncadd.s32 s5;
	_ =	sdelay $0x1  }
0xa2: {  	s23 =	simm.s32 $0x1B8B  }
0xa3: {  	_ =	swait.ge [sflag:s23], $0x1  }
0xa4: {  	[sflag:s23] =	ssyncset.done $0x0  }
0xa5: {  	s25 =	simm.s32 $0x1B8E;
	s24 =	sld [smem:$0x3FFE];
	[sflag:s23] =	ssyncadd.s32 $0xFFFFFFFF  }
0xa6: {  	s26 =	simm.s32 $execute0_lowered;
	[smem:$0x3FD2] =	sst s25  }
0xa7: {  	s6 =	sshll.u32 s26, $0x1;
	_ =	strace $0x80000046;
	[dreg:$0x1] =	wrdreg $0xFFFFFFFF  }
0xa8: {  	s28 =	simm.s32 $_size_execute0_lowered;
	s4 =	sadd.s32 s4, s6;
	[dreg:$0x0] =	wrdreg $0x0  }
0xa9: {  	s6 =	sshll.u32 s28, $0x1;
	[dreg:$0x2] =	wrdreg s4  }
0xaa: {  	[dreg:$0x3] =	wrdreg s6  }
0xab: {  	[dreg:$0x4] =	wrdreg $0xC0  }
0xac: {  	_ =	task [dreg:s8], $0x5FFFF  }
0xad: {  	[dreg:$0x1] =	wrdreg $0xFFFFFFFF  }
0xae: {  	[dreg:$0x0] =	wrdreg $0x60  }
0xaf: {  	[dreg:$0x2] =	wrdreg s2  }
0xb0: {  	[dreg:$0x3] =	wrdreg s18  }
0xb1: {  	[dreg:$0x4] =	wrdreg s24  }
0xb2: {  	[dreg:$0x5] =	wrdreg $0x9  }
0xb3: {  	_ =	task.clear_ibuf [dreg:s8], $0x6FFFF;
	_ =	strace $0x90000046  }
0xb4: {  	s29 =	simm.s32 $0x9;
	_ =	strace $0x80000048  }
0xb5: {  	_ =	swait.ge [sflag:s29], $0x1  }
0xb6: {  	[sflag:s29] =	ssyncadd.s32 $0xFFFFFFFF  }
0xb7: {  	_ =	strace $0x90000048  }
0xb8: {  	_ =	sfence  }
0xb9: {  	s30 =	sld [smem:$0x0];
	_ =	sdelay $0x2  }
0xba: {  	s31 =	sshll.u32 s1, $0xD;
	s1 =	sshrl.u32 s1, $0x2  }
0xbb: {  	s3 =	sand.u32 $0x4000, s31;
	s1 =	sadd.s32 s1, s30  }
0xbc: {  	s0 =	sor.u32 s3, s0;
	s1 =	sshll.u32 s1, $0x11  }
0xbd: {  	s0 =	sor.u32 s1, s0  }
0xbe: {  	s0 =	sadd.s32 $0x8F2B, s0  }
0xbf: {  	[sflag:s0] =	ssyncadd.remote.s32 $0x1  }
0xc0: {  	_ =	sfence.sel $0xFFFF  }
0xc1: {  	[dreg:$0x0] =	wrdreg $0xFFFFFFFF;
	(pc) =	sbr.abs _section_cstart, $3  }
0xc2: {  	[dreg:$0x1] =	wrdreg $0xFFFFFFFF  }
0xc3: {  	_ =	task.clear_ibuf [dreg:s8], $0x2FFFF;
	_ =	strace $0x9FFFFFFF  }
0xc4: {  	(tm) =	ssettm $0x7FFFFFFF  }
0xc5: {  	_ =	shalt  }
tec
execute0_lowered:
.L_overlay_start_1:
0x0: {  	(tag) =	ssettag $0x1  }
0x1: {  	s0 =	rddreg [dreg:$0x0]  }
0x2: {  	s2 =	rddreg [dreg:$0x1];
	s3 =	stileid.u32  }
0x3: {  	s4 =	rddreg [dreg:$0x2];
	s5 =	sshll.u32 s3, $0xA;
	s3 =	simm.s32 $0x0  }
0x4: {  	s20 =	simm.s32 $0x8A00;
	[smem:$0x7FF] =	sst s3  }
0x5: {  	s21 =	simm.s32 $0x9200;
	_ =	strace $0x80000047;
	[dreg:$0xd] =	wrdreg s20  }
0x6: {  	s22 =	simm.s32 $0x9A00;
	[dreg:$0xe] =	wrdreg s21  }
0x7: {  	s23 =	simm.s32 $0xA200;
	[dreg:$0xf] =	wrdreg s22  }
0x8: {  	s24 =	simm.s32 $0xAA00;
	[dreg:$0x10] =	wrdreg s23  }
0x9: {  	s25 =	simm.s32 $0xB200;
	[dreg:$0x11] =	wrdreg s24  }
0xa: {  	s7 =	simm.s32 $0xD200;
	[dreg:$0x12] =	wrdreg s25  }
0xb: {  	s8 =	simm.s32 $0xDA00;
	[dreg:$0x15] =	wrdreg s7  }
0xc: {  	s1 =	srdreg.scid;
	s9 =	simm.s32 $0xE200;
	[dreg:$0x16] =	wrdreg s8  }
0xd: {  	s10 =	simm.s32 $0xEA00;
	s11 =	simm.s32 $0xF200;
	[dreg:$0x17] =	wrdreg s9  }
0xe: {  	s28 =	simm.s32 $0x7;
	s1 =	sand.u32 $0x1, s1;
	[dreg:$0x18] =	wrdreg s10  }
0xf: {  	s6 =	sshll.u32 s1, $0x9;
	[dreg:$0x19] =	wrdreg s11;
	s20 =	simm.s32 $0x14A00  }
0x10: {  	s1 =	ssub.s32 $0x2, s1;
	s21 =	simm.s32 $0x15200;
	[smem:$0x7F7] =	sst s20  }
0x11: {  	s5 =	sor.u32 s6, s5;
	s22 =	simm.s32 $0x15A00;
	[smem:$0x7F8] =	sst s21  }
0x12: {  	s26 =	sshrl.u32 s1, $0x1;
	s23 =	simm.s32 $0x16200;
	[smem:$0x7F9] =	sst s22  }
0x13: {  	s24 =	simm.s32 $0x16A00;
	s25 =	simm.s32 $0x17200;
	[smem:$0x7FA] =	sst s23  }
0x14: {  	s6 =	sshll.u32 s5, $0x5;
	s5 =	sshrl.u32 s5, $0x3;
	[smem:$0x7FB] =	sst s24  }
0x15: {  	s1 =	ssub.s32 s1, s26;
	[smem:$0x7FC] =	sst s25;
	s26 =	simm.s32 $0x17A00  }
0x16: {  	s29 =	simm.s32 $0x2;
	s0 =	sadd.s32 s0, s5;
	[smem:$0x7FD] =	sst s26  }
0x17: {  	s30 =	simm.s32 $0x8;
	s5 =	simm.s32 $0xBA00;
	[dreg:$0x4] =	wrdreg s0  }
0x18: {  	s4 =	sadd.s32 s6, s4;
	s6 =	simm.s32 $0xCA00;
	[dreg:$0x13] =	wrdreg s5  }
0x19: {  	s31 =	simm.s32 $0x7200;
	s12 =	sadd.s32 $0xA00, s4;
	[dreg:$0x14] =	wrdreg s6  }
0x1a: {  	s10 =	simm.s32 $0xB;
	s13 =	sadd.s32 $0x1200, s4;
	[dreg:$0x5] =	wrdreg s12  }
0x1b: {  	s11 =	simm.s32 $0xC;
	s14 =	sadd.s32 $0x1A00, s4;
	[dreg:$0x6] =	wrdreg s13  }
0x1c: {  	s7 =	simm.s32 $0xC200;
	s15 =	sadd.s32 $0x2200, s4;
	[dreg:$0x7] =	wrdreg s14  }
0x1d: {  	s8 =	simm.s32 $0x10200;
	s16 =	sadd.s32 $0x2A00, s4;
	[dreg:$0x8] =	wrdreg s15  }
0x1e: {  	s9 =	simm.s32 $0x14200;
	s17 =	sadd.s32 $0x3200, s4;
	[dreg:$0x9] =	wrdreg s16  }
0x1f: {  	s20 =	simm.s32 $0x3200;
	s18 =	sadd.s32 $0x3A00, s4;
	[dreg:$0xa] =	wrdreg s17  }
0x20: {  	s21 =	simm.s32 $0x3A00;
	s19 =	sadd.s32 $0x4200, s4;
	[dreg:$0xb] =	wrdreg s18  }
0x21: {  	s22 =	simm.s32 $0x4A00;
	[dreg:$0xc] =	wrdreg s19;
	s12 =	simm.s32 $0xFA00  }
0x22: {  	s23 =	simm.s32 $0x5200;
	s13 =	simm.s32 $0x10A00;
	[dreg:$0x1a] =	wrdreg s12  }
0x23: {  	s24 =	simm.s32 $0x5A00;
	s14 =	simm.s32 $0x11200;
	[dreg:$0x1b] =	wrdreg s13  }
0x24: {  	s25 =	simm.s32 $0x6200;
	s15 =	simm.s32 $0x11A00;
	[dreg:$0x1c] =	wrdreg s14  }
0x25: {  	s26 =	simm.s32 $0x1;
	s16 =	simm.s32 $0x12200;
	[dreg:$0x1d] =	wrdreg s15  }
0x26: {  	s4 =	smax.u32 s1, $0x1;
	s17 =	simm.s32 $0x12A00;
	[dreg:$0x1e] =	wrdreg s16  }
0x27: {  	s6 =	simm.s32 $0x200;
	s18 =	simm.s32 $0x13200;
	[dreg:$0x1f] =	wrdreg s17  }
0x28: {  	v2 =	vlaneseq.u32;
	s19 =	simm.s32 $0x13A00;
	s14 =	simm.s32 $0x4200;
	[smem:$0x7F5] =	sst s18  }
0x29: {  	vm0 =	vmmov $0xffff;
	v1 =	vshrl.u32 v2, $0x3;
	[smem:$0x7F6] =	sst s19;
	s15 =	simm.s32 $0xA00;
	s16 =	simm.s32 $0x1200  }
0x2a: {  	v0 =	vand.u32 $0x7, v2;
	v2 =	vor.u32 $0x8, v2;
	v1 =	vmul.u32 $0x8, v1;
	s17 =	simm.s32 $0x1A00;
	s18 =	simm.s32 $0x2200;
	s19 =	simm.s32 $0x2A00  }
.LBB2_1:
0x2b: {  	s12 =	rddreg [dreg:$0x4];
	s5 =	simm.s32 $0xD  }
0x2c: {  	[tilespmem:s3], [sflag:$0xD] =	stream.linear.gather [hbm4b:s12+s3], $0x200, $0x38;
	[tilespmem:$0x18200] =	vst v63  }
0x2d: {  	_ =	swait.ge [sflag:s5], $0x200  }
0x2e: {  	[sflag:s5] =	ssyncset.done $0x0  }
0x2f: {  	[sflag:s5] =	ssyncadd.s32 $0xFFFFFE00  }
0x30: {  	v3 =	vld [tilespmem:$0x0];
	_ =	sdelay $0x4  }
0x31: {  	v4 =	vshll.u32 v3, $0x1  }
0x32: {  	v3 =	vand.u32 $0x7, v3;
	v4 =	vand.u32 $0xFFFFFFF0, v4  }
0x33: {  	v3 =	vor.u32 v3, v4  }
0x34: {  	v4 =	vperm.xlane v3, v0;
	_ =	sdelay $0x1  }
0x35: {  	v3 =	vperm.xlane v3, v2;
	v4 =	vadd.s32 v1, v4;
	_ =	sdelay $0x1  }
0x36: {  	v3 =	vadd.s32 v1, v3;
	_ =	sdelay $0x2  }
0x37: {  	[tilespmem:s6], [sflag:$0x1] =	stream.indirect_vreg.gather [hbm4b:s2+s3], $0x80, v4, vm0, $0xb8;
	[tilespmem:$0x18200] =	vst v63  }
0x38: {  	_ = 	snop  }
0x39: {  	[tilespmem:s15], [sflag:$0x1] =	stream.indirect_vreg.gather [hbm4b:s2+s3], $0x80, v3, vm0, $0xb8;
	[tilespmem:$0x18200] =	vst v63  }
0x3a: {  	v3 =	vld [tilespmem:$0x10];
	_ =	sdelay $0x4  }
0x3b: {  	v33 =	vshll.u32 v3, $0x1  }
0x3c: {  	v3 =	vand.u32 $0x7, v3;
	v4 =	vand.u32 $0xFFFFFFF0, v33  }
0x3d: {  	v3 =	vor.u32 v3, v4  }
0x3e: {  	v4 =	vperm.xlane v3, v0;
	_ =	sdelay $0x1  }
0x3f: {  	v3 =	vperm.xlane v3, v2;
	v4 =	vadd.s32 v1, v4;
	_ =	sdelay $0x1  }
0x40: {  	v3 =	vadd.s32 v1, v3;
	_ =	sdelay $0x2  }
0x41: {  	[tilespmem:s16], [sflag:$0x1] =	stream.indirect_vreg.gather [hbm4b:s2+s3], $0x80, v4, vm0, $0xb8;
	[tilespmem:$0x18200] =	vst v63  }
0x42: {  	_ = 	snop  }
0x43: {  	[tilespmem:s17], [sflag:$0x1] =	stream.indirect_vreg.gather [hbm4b:s2+s3], $0x80, v3, vm0, $0xb8;
	[tilespmem:$0x18200] =	vst v63  }
0x44: {  	v3 =	vld [tilespmem:$0x20];
	_ =	sdelay $0x4  }
0x45: {  	v34 =	vshll.u32 v3, $0x1  }
0x46: {  	v3 =	vand.u32 $0x7, v3;
	v4 =	vand.u32 $0xFFFFFFF0, v34  }
0x47: {  	v3 =	vor.u32 v3, v4  }
0x48: {  	v4 =	vperm.xlane v3, v0;
	_ =	sdelay $0x1  }
0x49: {  	v3 =	vperm.xlane v3, v2;
	v4 =	vadd.s32 v1, v4;
	_ =	sdelay $0x1  }
0x4a: {  	v3 =	vadd.s32 v1, v3;
	_ =	sdelay $0x2  }
0x4b: {  	[tilespmem:s18], [sflag:$0x1] =	stream.indirect_vreg.gather [hbm4b:s2+s3], $0x80, v4, vm0, $0xb8;
	[tilespmem:$0x18200] =	vst v63  }
0x4c: {  	_ = 	snop  }
0x4d: {  	[tilespmem:s19], [sflag:$0x1] =	stream.indirect_vreg.gather [hbm4b:s2+s3], $0x80, v3, vm0, $0xb8;
	[tilespmem:$0x18200] =	vst v63  }
0x4e: {  	v3 =	vld [tilespmem:$0x30];
	_ =	sdelay $0x4  }
0x4f: {  	v35 =	vshll.u32 v3, $0x1  }
0x50: {  	v3 =	vand.u32 $0x7, v3;
	v4 =	vand.u32 $0xFFFFFFF0, v35  }
0x51: {  	v3 =	vor.u32 v3, v4  }
0x52: {  	v4 =	vperm.xlane v3, v0;
	_ =	sdelay $0x1  }
0x53: {  	v3 =	vperm.xlane v3, v2;
	v4 =	vadd.s32 v1, v4;
	_ =	sdelay $0x1  }
0x54: {  	v3 =	vadd.s32 v1, v3;
	_ =	sdelay $0x2  }
0x55: {  	[tilespmem:s20], [sflag:$0x1] =	stream.indirect_vreg.gather [hbm4b:s2+s3], $0x80, v4, vm0, $0xb8;
	[tilespmem:$0x18200] =	vst v63  }
0x56: {  	_ = 	snop  }
0x57: {  	[tilespmem:s21], [sflag:$0x1] =	stream.indirect_vreg.gather [hbm4b:s2+s3], $0x80, v3, vm0, $0xb8;
	[tilespmem:$0x18200] =	vst v63  }
0x58: {  	v3 =	vld [tilespmem:$0x40];
	_ =	sdelay $0x4  }
0x59: {  	v36 =	vshll.u32 v3, $0x1  }
0x5a: {  	v3 =	vand.u32 $0x7, v3;
	v4 =	vand.u32 $0xFFFFFFF0, v36  }
0x5b: {  	v3 =	vor.u32 v3, v4  }
0x5c: {  	v4 =	vperm.xlane v3, v0;
	_ =	sdelay $0x1  }
0x5d: {  	v3 =	vperm.xlane v3, v2;
	v4 =	vadd.s32 v1, v4;
	_ =	sdelay $0x1  }
0x5e: {  	v3 =	vadd.s32 v1, v3;
	_ =	sdelay $0x2  }
0x5f: {  	[tilespmem:s14], [sflag:$0x2] =	stream.indirect_vreg.gather [hbm4b:s2+s3], $0x80, v4, vm0, $0xb8;
	[tilespmem:$0x18200] =	vst v63  }
0x60: {  	_ = 	snop  }
0x61: {  	[tilespmem:s22], [sflag:$0x2] =	stream.indirect_vreg.gather [hbm4b:s2+s3], $0x80, v3, vm0, $0xb8;
	[tilespmem:$0x18200] =	vst v63  }
0x62: {  	v3 =	vld [tilespmem:$0x50];
	_ =	sdelay $0x4  }
0x63: {  	v37 =	vshll.u32 v3, $0x1  }
0x64: {  	v3 =	vand.u32 $0x7, v3;
	v4 =	vand.u32 $0xFFFFFFF0, v37  }
0x65: {  	v3 =	vor.u32 v3, v4  }
0x66: {  	v4 =	vperm.xlane v3, v0;
	_ =	sdelay $0x1  }
0x67: {  	v3 =	vperm.xlane v3, v2;
	v4 =	vadd.s32 v1, v4;
	_ =	sdelay $0x1  }
0x68: {  	v3 =	vadd.s32 v1, v3;
	_ =	sdelay $0x2  }
0x69: {  	[tilespmem:s23], [sflag:$0x2] =	stream.indirect_vreg.gather [hbm4b:s2+s3], $0x80, v4, vm0, $0xb8;
	[tilespmem:$0x18200] =	vst v63  }
0x6a: {  	_ = 	snop  }
0x6b: {  	[tilespmem:s24], [sflag:$0x2] =	stream.indirect_vreg.gather [hbm4b:s2+s3], $0x80, v3, vm0, $0xb8;
	[tilespmem:$0x18200] =	vst v63  }
0x6c: {  	v3 =	vld [tilespmem:$0x60];
	_ =	sdelay $0x4  }
0x6d: {  	v38 =	vshll.u32 v3, $0x1  }
0x6e: {  	v3 =	vand.u32 $0x7, v3;
	v4 =	vand.u32 $0xFFFFFFF0, v38  }
0x6f: {  	v3 =	vor.u32 v3, v4  }
0x70: {  	v4 =	vperm.xlane v3, v0;
	_ =	sdelay $0x1  }
0x71: {  	v3 =	vperm.xlane v3, v2;
	v4 =	vadd.s32 v1, v4;
	_ =	sdelay $0x1  }
0x72: {  	v3 =	vadd.s32 v1, v3;
	_ =	sdelay $0x2  }
0x73: {  	[tilespmem:s25], [sflag:$0x2] =	stream.indirect_vreg.gather [hbm4b:s2+s3], $0x80, v4, vm0, $0xb8;
	[tilespmem:$0x18200] =	vst v63  }
0x74: {  	s5 =	simm.s32 $0x6A00  }
0x75: {  	[tilespmem:s5], [sflag:$0x2] =	stream.indirect_vreg.gather [hbm4b:s2+s3], $0x80, v3, vm0, $0xb8;
	[tilespmem:$0x18200] =	vst v63  }
0x76: {  	v3 =	vld [tilespmem:$0x70];
	_ =	sdelay $0x4  }
0x77: {  	v39 =	vshll.u32 v3, $0x1  }
0x78: {  	v3 =	vand.u32 $0x7, v3;
	v4 =	vand.u32 $0xFFFFFFF0, v39  }
0x79: {  	v3 =	vor.u32 v3, v4  }
0x7a: {  	v4 =	vperm.xlane v3, v0;
	_ =	sdelay $0x1  }
0x7b: {  	v3 =	vperm.xlane v3, v2;
	v4 =	vadd.s32 v1, v4;
	_ =	sdelay $0x1  }
0x7c: {  	v3 =	vadd.s32 v1, v3;
	_ =	sdelay $0x2  }
0x7d: {  	[tilespmem:s31], [sflag:$0x2] =	stream.indirect_vreg.gather [hbm4b:s2+s3], $0x80, v4, vm0, $0xb8;
	[tilespmem:$0x18200] =	vst v63  }
0x7e: {  	s1 =	simm.s32 $0x7A00  }
0x7f: {  	[tilespmem:s1], [sflag:$0x2] =	stream.indirect_vreg.gather [hbm4b:s2+s3], $0x80, v3, vm0, $0xb8;
	[tilespmem:$0x18200] =	vst v63  }
0x80: {  	v3 =	vld [tilespmem:$0x80];
	_ =	sdelay $0x4  }
0x81: {  	v40 =	vshll.u32 v3, $0x1  }
0x82: {  	v3 =	vand.u32 $0x7, v3;
	v4 =	vand.u32 $0xFFFFFFF0, v40  }
0x83: {  	v3 =	vor.u32 v3, v4  }
0x84: {  	v4 =	vperm.xlane v3, v0;
	_ =	sdelay $0x1  }
0x85: {  	v3 =	vperm.xlane v3, v2;
	v4 =	vadd.s32 v1, v4;
	_ =	sdelay $0x1  }
0x86: {  	v3 =	vadd.s32 v1, v3;
	_ =	sdelay $0x1  }
0x87: {  	s0 =	simm.s32 $0x8200  }
0x88: {  	[tilespmem:s0], [sflag:$0x3] =	stream.indirect_vreg.gather [hbm4b:s2+s3], $0x80, v4, vm0, $0xb8;
	[tilespmem:$0x18200] =	vst v63  }
0x89: {  	s13 =	rddreg [dreg:$0xd]  }
0x8a: {  	[tilespmem:s13], [sflag:$0x3] =	stream.indirect_vreg.gather [hbm4b:s2+s3], $0x80, v3, vm0, $0xb8;
	[tilespmem:$0x18200] =	vst v63  }
0x8b: {  	v3 =	vld [tilespmem:$0x90];
	_ =	sdelay $0x4  }
0x8c: {  	v41 =	vshll.u32 v3, $0x1  }
0x8d: {  	v3 =	vand.u32 $0x7, v3;
	v4 =	vand.u32 $0xFFFFFFF0, v41  }
0x8e: {  	v3 =	vor.u32 v3, v4  }
0x8f: {  	v4 =	vperm.xlane v3, v0;
	_ =	sdelay $0x1  }
0x90: {  	v3 =	vperm.xlane v3, v2;
	v4 =	vadd.s32 v1, v4;
	_ =	sdelay $0x1  }
0x91: {  	v3 =	vadd.s32 v1, v3;
	_ =	sdelay $0x1  }
0x92: {  	s12 =	rddreg [dreg:$0xe]  }
0x93: {  	[tilespmem:s12], [sflag:$0x3] =	stream.indirect_vreg.gather [hbm4b:s2+s3], $0x80, v4, vm0, $0xb8;
	[tilespmem:$0x18200] =	vst v63  }
0x94: {  	s13 =	rddreg [dreg:$0xf]  }
0x95: {  	[tilespmem:s13], [sflag:$0x3] =	stream.indirect_vreg.gather [hbm4b:s2+s3], $0x80, v3, vm0, $0xb8;
	[tilespmem:$0x18200] =	vst v63  }
0x96: {  	v3 =	vld [tilespmem:$0xA0];
	_ =	sdelay $0x4  }
0x97: {  	v42 =	vshll.u32 v3, $0x1  }
0x98: {  	v3 =	vand.u32 $0x7, v3;
	v4 =	vand.u32 $0xFFFFFFF0, v42  }
0x99: {  	v3 =	vor.u32 v3, v4  }
0x9a: {  	v4 =	vperm.xlane v3, v0;
	_ =	sdelay $0x1  }
0x9b: {  	v3 =	vperm.xlane v3, v2;
	v4 =	vadd.s32 v1, v4;
	_ =	sdelay $0x1  }
0x9c: {  	v3 =	vadd.s32 v1, v3;
	_ =	sdelay $0x1  }
0x9d: {  	s12 =	rddreg [dreg:$0x10]  }
0x9e: {  	[tilespmem:s12], [sflag:$0x3] =	stream.indirect_vreg.gather [hbm4b:s2+s3], $0x80, v4, vm0, $0xb8;
	[tilespmem:$0x18200] =	vst v63  }
0x9f: {  	s13 =	rddreg [dreg:$0x11]  }
0xa0: {  	[tilespmem:s13], [sflag:$0x3] =	stream.indirect_vreg.gather [hbm4b:s2+s3], $0x80, v3, vm0, $0xb8;
	[tilespmem:$0x18200] =	vst v63  }
0xa1: {  	v3 =	vld [tilespmem:$0xB0];
	_ =	sdelay $0x4  }
0xa2: {  	v43 =	vshll.u32 v3, $0x1  }
0xa3: {  	v3 =	vand.u32 $0x7, v3;
	v4 =	vand.u32 $0xFFFFFFF0, v43  }
0xa4: {  	v3 =	vor.u32 v3, v4  }
0xa5: {  	v4 =	vperm.xlane v3, v0;
	_ =	sdelay $0x1  }
0xa6: {  	v3 =	vperm.xlane v3, v2;
	v4 =	vadd.s32 v1, v4;
	_ =	sdelay $0x1  }
0xa7: {  	v3 =	vadd.s32 v1, v3;
	_ =	sdelay $0x1  }
0xa8: {  	s12 =	rddreg [dreg:$0x12]  }
0xa9: {  	[tilespmem:s12], [sflag:$0x3] =	stream.indirect_vreg.gather [hbm4b:s2+s3], $0x80, v4, vm0, $0xb8;
	[tilespmem:$0x18200] =	vst v63  }
0xaa: {  	s13 =	rddreg [dreg:$0x13]  }
0xab: {  	[tilespmem:s13], [sflag:$0x3] =	stream.indirect_vreg.gather [hbm4b:s2+s3], $0x80, v3, vm0, $0xb8;
	[tilespmem:$0x18200] =	vst v63  }
0xac: {  	v3 =	vld [tilespmem:$0xC0];
	_ =	sdelay $0x4  }
0xad: {  	v44 =	vshll.u32 v3, $0x1  }
0xae: {  	v3 =	vand.u32 $0x7, v3;
	v4 =	vand.u32 $0xFFFFFFF0, v44  }
0xaf: {  	v3 =	vor.u32 v3, v4  }
0xb0: {  	v4 =	vperm.xlane v3, v0;
	_ =	sdelay $0x1  }
0xb1: {  	v3 =	vperm.xlane v3, v2;
	v4 =	vadd.s32 v1, v4;
	_ =	sdelay $0x1  }
0xb2: {  	v3 =	vadd.s32 v1, v3;
	_ =	sdelay $0x2  }
0xb3: {  	[tilespmem:s7], [sflag:$0x4] =	stream.indirect_vreg.gather [hbm4b:s2+s3], $0x80, v4, vm0, $0xb8;
	[tilespmem:$0x18200] =	vst v63  }
0xb4: {  	s13 =	rddreg [dreg:$0x14]  }
0xb5: {  	[tilespmem:s13], [sflag:$0x4] =	stream.indirect_vreg.gather [hbm4b:s2+s3], $0x80, v3, vm0, $0xb8;
	[tilespmem:$0x18200] =	vst v63  }
0xb6: {  	v3 =	vld [tilespmem:$0xD0];
	_ =	sdelay $0x4  }
0xb7: {  	v45 =	vshll.u32 v3, $0x1  }
0xb8: {  	v3 =	vand.u32 $0x7, v3;
	v4 =	vand.u32 $0xFFFFFFF0, v45  }
0xb9: {  	v3 =	vor.u32 v3, v4  }
0xba: {  	v4 =	vperm.xlane v3, v0;
	_ =	sdelay $0x1  }
0xbb: {  	v3 =	vperm.xlane v3, v2;
	v4 =	vadd.s32 v1, v4;
	_ =	sdelay $0x1  }
0xbc: {  	v3 =	vadd.s32 v1, v3;
	_ =	sdelay $0x1  }
0xbd: {  	s12 =	rddreg [dreg:$0x15]  }
0xbe: {  	[tilespmem:s12], [sflag:$0x4] =	stream.indirect_vreg.gather [hbm4b:s2+s3], $0x80, v4, vm0, $0xb8;
	[tilespmem:$0x18200] =	vst v63  }
0xbf: {  	s13 =	rddreg [dreg:$0x16]  }
0xc0: {  	[tilespmem:s13], [sflag:$0x4] =	stream.indirect_vreg.gather [hbm4b:s2+s3], $0x80, v3, vm0, $0xb8;
	[tilespmem:$0x18200] =	vst v63  }
0xc1: {  	v3 =	vld [tilespmem:$0xE0];
	_ =	sdelay $0x4  }
0xc2: {  	v46 =	vshll.u32 v3, $0x1  }
0xc3: {  	v3 =	vand.u32 $0x7, v3;
	v4 =	vand.u32 $0xFFFFFFF0, v46  }
0xc4: {  	v3 =	vor.u32 v3, v4  }
0xc5: {  	v4 =	vperm.xlane v3, v0;
	_ =	sdelay $0x1  }
0xc6: {  	v3 =	vperm.xlane v3, v2;
	v4 =	vadd.s32 v1, v4;
	_ =	sdelay $0x1  }
0xc7: {  	v3 =	vadd.s32 v1, v3;
	_ =	sdelay $0x1  }
0xc8: {  	s12 =	rddreg [dreg:$0x17]  }
0xc9: {  	[tilespmem:s12], [sflag:$0x4] =	stream.indirect_vreg.gather [hbm4b:s2+s3], $0x80, v4, vm0, $0xb8;
	[tilespmem:$0x18200] =	vst v63  }
0xca: {  	s13 =	rddreg [dreg:$0x18]  }
0xcb: {  	[tilespmem:s13], [sflag:$0x4] =	stream.indirect_vreg.gather [hbm4b:s2+s3], $0x80, v3, vm0, $0xb8;
	[tilespmem:$0x18200] =	vst v63  }
0xcc: {  	v3 =	vld [tilespmem:$0xF0];
	_ =	sdelay $0x4  }
0xcd: {  	v47 =	vshll.u32 v3, $0x1  }
0xce: {  	v3 =	vand.u32 $0x7, v3;
	v4 =	vand.u32 $0xFFFFFFF0, v47  }
0xcf: {  	v3 =	vor.u32 v3, v4  }
0xd0: {  	v4 =	vperm.xlane v3, v0;
	_ =	sdelay $0x1  }
0xd1: {  	v3 =	vperm.xlane v3, v2;
	v4 =	vadd.s32 v1, v4;
	_ =	sdelay $0x1  }
0xd2: {  	v3 =	vadd.s32 v1, v3;
	_ =	sdelay $0x1  }
0xd3: {  	s12 =	rddreg [dreg:$0x19]  }
0xd4: {  	[tilespmem:s12], [sflag:$0x4] =	stream.indirect_vreg.gather [hbm4b:s2+s3], $0x80, v4, vm0, $0xb8;
	[tilespmem:$0x18200] =	vst v63  }
0xd5: {  	s13 =	rddreg [dreg:$0x1a]  }
0xd6: {  	[tilespmem:s13], [sflag:$0x4] =	stream.indirect_vreg.gather [hbm4b:s2+s3], $0x80, v3, vm0, $0xb8;
	[tilespmem:$0x18200] =	vst v63  }
0xd7: {  	v3 =	vld [tilespmem:$0x100];
	_ =	sdelay $0x4  }
0xd8: {  	v48 =	vshll.u32 v3, $0x1  }
0xd9: {  	v3 =	vand.u32 $0x7, v3;
	v4 =	vand.u32 $0xFFFFFFF0, v48  }
0xda: {  	v3 =	vor.u32 v3, v4  }
0xdb: {  	v4 =	vperm.xlane v3, v0;
	_ =	sdelay $0x1  }
0xdc: {  	v3 =	vperm.xlane v3, v2;
	v4 =	vadd.s32 v1, v4;
	_ =	sdelay $0x1  }
0xdd: {  	v3 =	vadd.s32 v1, v3;
	_ =	sdelay $0x2  }
0xde: {  	[tilespmem:s8], [sflag:$0x5] =	stream.indirect_vreg.gather [hbm4b:s2+s3], $0x80, v4, vm0, $0xb8;
	[tilespmem:$0x18200] =	vst v63  }
0xdf: {  	s13 =	rddreg [dreg:$0x1b]  }
0xe0: {  	[tilespmem:s13], [sflag:$0x5] =	stream.indirect_vreg.gather [hbm4b:s2+s3], $0x80, v3, vm0, $0xb8;
	[tilespmem:$0x18200] =	vst v63  }
0xe1: {  	v3 =	vld [tilespmem:$0x110];
	_ =	sdelay $0x4  }
0xe2: {  	v49 =	vshll.u32 v3, $0x1  }
0xe3: {  	v3 =	vand.u32 $0x7, v3;
	v4 =	vand.u32 $0xFFFFFFF0, v49  }
0xe4: {  	v3 =	vor.u32 v3, v4  }
0xe5: {  	v4 =	vperm.xlane v3, v0;
	_ =	sdelay $0x1  }
0xe6: {  	v3 =	vperm.xlane v3, v2;
	v4 =	vadd.s32 v1, v4;
	_ =	sdelay $0x1  }
0xe7: {  	v3 =	vadd.s32 v1, v3;
	_ =	sdelay $0x1  }
0xe8: {  	s12 =	rddreg [dreg:$0x1c]  }
0xe9: {  	[tilespmem:s12], [sflag:$0x5] =	stream.indirect_vreg.gather [hbm4b:s2+s3], $0x80, v4, vm0, $0xb8;
	[tilespmem:$0x18200] =	vst v63  }
0xea: {  	s13 =	rddreg [dreg:$0x1d]  }
0xeb: {  	[tilespmem:s13], [sflag:$0x5] =	stream.indirect_vreg.gather [hbm4b:s2+s3], $0x80, v3, vm0, $0xb8;
	[tilespmem:$0x18200] =	vst v63  }
0xec: {  	v3 =	vld [tilespmem:$0x120];
	_ =	sdelay $0x4  }
0xed: {  	v50 =	vshll.u32 v3, $0x1  }
0xee: {  	v3 =	vand.u32 $0x7, v3;
	v4 =	vand.u32 $0xFFFFFFF0, v50  }
0xef: {  	v3 =	vor.u32 v3, v4  }
0xf0: {  	v4 =	vperm.xlane v3, v0;
	_ =	sdelay $0x1  }
0xf1: {  	v3 =	vperm.xlane v3, v2;
	v4 =	vadd.s32 v1, v4;
	_ =	sdelay $0x1  }
0xf2: {  	v3 =	vadd.s32 v1, v3;
	_ =	sdelay $0x1  }
0xf3: {  	s12 =	rddreg [dreg:$0x1e]  }
0xf4: {  	[tilespmem:s12], [sflag:$0x5] =	stream.indirect_vreg.gather [hbm4b:s2+s3], $0x80, v4, vm0, $0xb8;
	[tilespmem:$0x18200] =	vst v63  }
0xf5: {  	s13 =	rddreg [dreg:$0x1f]  }
0xf6: {  	[tilespmem:s13], [sflag:$0x5] =	stream.indirect_vreg.gather [hbm4b:s2+s3], $0x80, v3, vm0, $0xb8;
	[tilespmem:$0x18200] =	vst v63  }
0xf7: {  	v3 =	vld [tilespmem:$0x130];
	_ =	sdelay $0x4  }
0xf8: {  	v51 =	vshll.u32 v3, $0x1  }
0xf9: {  	v3 =	vand.u32 $0x7, v3;
	v4 =	vand.u32 $0xFFFFFFF0, v51  }
0xfa: {  	v3 =	vor.u32 v3, v4  }
0xfb: {  	v4 =	vperm.xlane v3, v0;
	_ =	sdelay $0x1  }
0xfc: {  	v3 =	vperm.xlane v3, v2;
	v4 =	vadd.s32 v1, v4;
	_ =	sdelay $0x1  }
0xfd: {  	s12 =	sld [smem:$0x7F5];
	v3 =	vadd.s32 v1, v3;
	_ =	sdelay $0x1  }
0xfe: {  	s13 =	sld [smem:$0x7F6]  }
0xff: {  	[tilespmem:s12], [sflag:$0x5] =	stream.indirect_vreg.gather [hbm4b:s2+s3], $0x80, v4, vm0, $0xb8;
	[tilespmem:$0x18200] =	vst v63  }
0x100: {  	_ = 	snop  }
0x101: {  	[tilespmem:s13], [sflag:$0x5] =	stream.indirect_vreg.gather [hbm4b:s2+s3], $0x80, v3, vm0, $0xb8;
	[tilespmem:$0x18200] =	vst v63  }
0x102: {  	v3 =	vld [tilespmem:$0x140];
	_ =	sdelay $0x4  }
0x103: {  	v52 =	vshll.u32 v3, $0x1  }
0x104: {  	v3 =	vand.u32 $0x7, v3;
	v4 =	vand.u32 $0xFFFFFFF0, v52  }
0x105: {  	v3 =	vor.u32 v3, v4  }
0x106: {  	v4 =	vperm.xlane v3, v0;
	_ =	sdelay $0x1  }
0x107: {  	v3 =	vperm.xlane v3, v2;
	v4 =	vadd.s32 v1, v4;
	_ =	sdelay $0x1  }
0x108: {  	v3 =	vadd.s32 v1, v3;
	_ =	sdelay $0x1  }
0x109: {  	s13 =	sld [smem:$0x7F7]  }
0x10a: {  	[tilespmem:s9], [sflag:$0x6] =	stream.indirect_vreg.gather [hbm4b:s2+s3], $0x80, v4, vm0, $0xb8;
	[tilespmem:$0x18200] =	vst v63  }
0x10b: {  	_ = 	snop  }
0x10c: {  	[tilespmem:s13], [sflag:$0x6] =	stream.indirect_vreg.gather [hbm4b:s2+s3], $0x80, v3, vm0, $0xb8;
	[tilespmem:$0x18200] =	vst v63  }
0x10d: {  	v3 =	vld [tilespmem:$0x150];
	_ =	sdelay $0x4  }
0x10e: {  	v53 =	vshll.u32 v3, $0x1  }
0x10f: {  	v3 =	vand.u32 $0x7, v3;
	v4 =	vand.u32 $0xFFFFFFF0, v53  }
0x110: {  	v3 =	vor.u32 v3, v4  }
0x111: {  	v4 =	vperm.xlane v3, v0;
	_ =	sdelay $0x1  }
0x112: {  	v3 =	vperm.xlane v3, v2;
	v4 =	vadd.s32 v1, v4;
	_ =	sdelay $0x1  }
0x113: {  	s12 =	sld [smem:$0x7F8];
	v3 =	vadd.s32 v1, v3;
	_ =	sdelay $0x1  }
0x114: {  	s13 =	sld [smem:$0x7F9]  }
0x115: {  	[tilespmem:s12], [sflag:$0x6] =	stream.indirect_vreg.gather [hbm4b:s2+s3], $0x80, v4, vm0, $0xb8;
	[tilespmem:$0x18200] =	vst v63  }
0x116: {  	_ = 	snop  }
0x117: {  	[tilespmem:s13], [sflag:$0x6] =	stream.indirect_vreg.gather [hbm4b:s2+s3], $0x80, v3, vm0, $0xb8;
	[tilespmem:$0x18200] =	vst v63  }
0x118: {  	v3 =	vld [tilespmem:$0x160];
	_ =	sdelay $0x4  }
0x119: {  	v54 =	vshll.u32 v3, $0x1  }
0x11a: {  	v3 =	vand.u32 $0x7, v3;
	v4 =	vand.u32 $0xFFFFFFF0, v54  }
0x11b: {  	v3 =	vor.u32 v3, v4  }
0x11c: {  	v4 =	vperm.xlane v3, v0;
	_ =	sdelay $0x1  }
0x11d: {  	v3 =	vperm.xlane v3, v2;
	v4 =	vadd.s32 v1, v4;
	_ =	sdelay $0x1  }
0x11e: {  	s12 =	sld [smem:$0x7FA];
	v3 =	vadd.s32 v1, v3;
	_ =	sdelay $0x1  }
0x11f: {  	s13 =	sld [smem:$0x7FB]  }
0x120: {  	[tilespmem:s12], [sflag:$0x6] =	stream.indirect_vreg.gather [hbm4b:s2+s3], $0x80, v4, vm0, $0xb8;
	[tilespmem:$0x18200] =	vst v63  }
0x121: {  	_ = 	snop  }
0x122: {  	[tilespmem:s13], [sflag:$0x6] =	stream.indirect_vreg.gather [hbm4b:s2+s3], $0x80, v3, vm0, $0xb8;
	[tilespmem:$0x18200] =	vst v63  }
0x123: {  	v3 =	vld [tilespmem:$0x170];
	_ =	sdelay $0x4  }
0x124: {  	v55 =	vshll.u32 v3, $0x1  }
0x125: {  	v3 =	vand.u32 $0x7, v3;
	v4 =	vand.u32 $0xFFFFFFF0, v55  }
0x126: {  	v3 =	vor.u32 v3, v4  }
0x127: {  	v4 =	vperm.xlane v3, v0;
	_ =	sdelay $0x1  }
0x128: {  	v3 =	vperm.xlane v3, v2;
	v4 =	vadd.s32 v1, v4;
	_ =	sdelay $0x1  }
0x129: {  	s12 =	sld [smem:$0x7FC];
	v3 =	vadd.s32 v1, v3;
	_ =	sdelay $0x1  }
0x12a: {  	s13 =	sld [smem:$0x7FD]  }
0x12b: {  	[tilespmem:s12], [sflag:$0x6] =	stream.indirect_vreg.gather [hbm4b:s2+s3], $0x80, v4, vm0, $0xb8;
	[tilespmem:$0x18200] =	vst v63  }
0x12c: {  	_ = 	snop  }
0x12d: {  	[tilespmem:s13], [sflag:$0x6] =	stream.indirect_vreg.gather [hbm4b:s2+s3], $0x80, v3, vm0, $0xb8;
	[tilespmem:$0x18200] =	vst v63  }
0x12e: {  	_ =	swait.ge [sflag:s26], $0x4000  }
0x12f: {  	[sflag:s26] =	ssyncset.done $0x0  }
0x130: {  	s13 =	rddreg [dreg:$0x5];
	[sflag:s26] =	ssyncadd.s32 $0xFFFFC000  }
0x131: {  	[hbm4b:s13+s3] =	stream.linear.scatter [tilespmem:s6], [sflag:$0x7], $0x4000, $0x38;
	[tilespmem:$0x18200] =	vst v63  }
0x132: {  	_ =	swait.ge [sflag:s28], $0x4000  }
0x133: {  	[sflag:s28] =	ssyncset.done $0x0  }
0x134: {  	[sflag:s28] =	ssyncadd.s32 $0xFFFFC000  }
0x135: {  	v3 =	vld [tilespmem:$0x180];
	_ =	sdelay $0x4  }
0x136: {  	v56 =	vshll.u32 v3, $0x1  }
0x137: {  	v3 =	vand.u32 $0x7, v3;
	v4 =	vand.u32 $0xFFFFFFF0, v56  }
0x138: {  	v3 =	vor.u32 v3, v4  }
0x139: {  	v4 =	vperm.xlane v3, v0;
	_ =	sdelay $0x1  }
0x13a: {  	v3 =	vperm.xlane v3, v2;
	v4 =	vadd.s32 v1, v4;
	_ =	sdelay $0x1  }
0x13b: {  	v3 =	vadd.s32 v1, v3;
	_ =	sdelay $0x2  }
0x13c: {  	[tilespmem:s6], [sflag:$0x1] =	stream.indirect_vreg.gather [hbm4b:s2+s3], $0x80, v4, vm0, $0xb8;
	[tilespmem:$0x18200] =	vst v63  }
0x13d: {  	_ = 	snop  }
0x13e: {  	[tilespmem:s15], [sflag:$0x1] =	stream.indirect_vreg.gather [hbm4b:s2+s3], $0x80, v3, vm0, $0xb8;
	[tilespmem:$0x18200] =	vst v63  }
0x13f: {  	v3 =	vld [tilespmem:$0x190];
	_ =	sdelay $0x4  }
0x140: {  	v57 =	vshll.u32 v3, $0x1  }
0x141: {  	v3 =	vand.u32 $0x7, v3;
	v4 =	vand.u32 $0xFFFFFFF0, v57  }
0x142: {  	v3 =	vor.u32 v3, v4  }
0x143: {  	v4 =	vperm.xlane v3, v0;
	_ =	sdelay $0x1  }
0x144: {  	v3 =	vperm.xlane v3, v2;
	v4 =	vadd.s32 v1, v4;
	_ =	sdelay $0x1  }
0x145: {  	v3 =	vadd.s32 v1, v3;
	_ =	sdelay $0x2  }
0x146: {  	[tilespmem:s16], [sflag:$0x1] =	stream.indirect_vreg.gather [hbm4b:s2+s3], $0x80, v4, vm0, $0xb8;
	[tilespmem:$0x18200] =	vst v63  }
0x147: {  	_ = 	snop  }
0x148: {  	[tilespmem:s17], [sflag:$0x1] =	stream.indirect_vreg.gather [hbm4b:s2+s3], $0x80, v3, vm0, $0xb8;
	[tilespmem:$0x18200] =	vst v63  }
0x149: {  	v3 =	vld [tilespmem:$0x1A0];
	_ =	sdelay $0x4  }
0x14a: {  	v58 =	vshll.u32 v3, $0x1  }
0x14b: {  	v3 =	vand.u32 $0x7, v3;
	v4 =	vand.u32 $0xFFFFFFF0, v58  }
0x14c: {  	v3 =	vor.u32 v3, v4  }
0x14d: {  	v4 =	vperm.xlane v3, v0;
	_ =	sdelay $0x1  }
0x14e: {  	v3 =	vperm.xlane v3, v2;
	v4 =	vadd.s32 v1, v4;
	_ =	sdelay $0x1  }
0x14f: {  	v3 =	vadd.s32 v1, v3;
	_ =	sdelay $0x2  }
0x150: {  	[tilespmem:s18], [sflag:$0x1] =	stream.indirect_vreg.gather [hbm4b:s2+s3], $0x80, v4, vm0, $0xb8;
	[tilespmem:$0x18200] =	vst v63  }
0x151: {  	_ = 	snop  }
0x152: {  	[tilespmem:s19], [sflag:$0x1] =	stream.indirect_vreg.gather [hbm4b:s2+s3], $0x80, v3, vm0, $0xb8;
	[tilespmem:$0x18200] =	vst v63  }
0x153: {  	v3 =	vld [tilespmem:$0x1B0];
	_ =	sdelay $0x4  }
0x154: {  	v59 =	vshll.u32 v3, $0x1  }
0x155: {  	v3 =	vand.u32 $0x7, v3;
	v4 =	vand.u32 $0xFFFFFFF0, v59  }
0x156: {  	v3 =	vor.u32 v3, v4  }
0x157: {  	v4 =	vperm.xlane v3, v0;
	_ =	sdelay $0x1  }
0x158: {  	v3 =	vperm.xlane v3, v2;
	v4 =	vadd.s32 v1, v4;
	_ =	sdelay $0x1  }
0x159: {  	v3 =	vadd.s32 v1, v3;
	_ =	sdelay $0x2  }
0x15a: {  	[tilespmem:s20], [sflag:$0x1] =	stream.indirect_vreg.gather [hbm4b:s2+s3], $0x80, v4, vm0, $0xb8;
	[tilespmem:$0x18200] =	vst v63  }
0x15b: {  	_ = 	snop  }
0x15c: {  	[tilespmem:s21], [sflag:$0x1] =	stream.indirect_vreg.gather [hbm4b:s2+s3], $0x80, v3, vm0, $0xb8;
	[tilespmem:$0x18200] =	vst v63  }
0x15d: {  	_ =	swait.ge [sflag:s29], $0x4000  }
0x15e: {  	[sflag:s29] =	ssyncset.done $0x0  }
0x15f: {  	s13 =	rddreg [dreg:$0x6];
	[sflag:s29] =	ssyncadd.s32 $0xFFFFC000  }
0x160: {  	[hbm4b:s13+s3] =	stream.linear.scatter [tilespmem:s14], [sflag:$0x8], $0x4000, $0x38;
	[tilespmem:$0x18200] =	vst v63  }
0x161: {  	_ =	swait.ge [sflag:s30], $0x4000  }
0x162: {  	[sflag:s30] =	ssyncset.done $0x0  }
0x163: {  	[sflag:s30] =	ssyncadd.s32 $0xFFFFC000  }
0x164: {  	v3 =	vld [tilespmem:$0x1C0];
	_ =	sdelay $0x4  }
0x165: {  	v60 =	vshll.u32 v3, $0x1  }
0x166: {  	v3 =	vand.u32 $0x7, v3;
	v4 =	vand.u32 $0xFFFFFFF0, v60  }
0x167: {  	v3 =	vor.u32 v3, v4  }
0x168: {  	v4 =	vperm.xlane v3, v0;
	_ =	sdelay $0x1  }
0x169: {  	v3 =	vperm.xlane v3, v2;
	v4 =	vadd.s32 v1, v4;
	_ =	sdelay $0x1  }
0x16a: {  	v3 =	vadd.s32 v1, v3;
	_ =	sdelay $0x2  }
0x16b: {  	[tilespmem:s14], [sflag:$0x2] =	stream.indirect_vreg.gather [hbm4b:s2+s3], $0x80, v4, vm0, $0xb8;
	[tilespmem:$0x18200] =	vst v63  }
0x16c: {  	_ = 	snop  }
0x16d: {  	[tilespmem:s22], [sflag:$0x2] =	stream.indirect_vreg.gather [hbm4b:s2+s3], $0x80, v3, vm0, $0xb8;
	[tilespmem:$0x18200] =	vst v63  }
0x16e: {  	v3 =	vld [tilespmem:$0x1D0];
	_ =	sdelay $0x4  }
0x16f: {  	v61 =	vshll.u32 v3, $0x1  }
0x170: {  	v3 =	vand.u32 $0x7, v3;
	v4 =	vand.u32 $0xFFFFFFF0, v61  }
0x171: {  	v3 =	vor.u32 v3, v4  }
0x172: {  	v4 =	vperm.xlane v3, v0;
	_ =	sdelay $0x1  }
0x173: {  	v3 =	vperm.xlane v3, v2;
	v4 =	vadd.s32 v1, v4;
	_ =	sdelay $0x1  }
0x174: {  	v3 =	vadd.s32 v1, v3;
	_ =	sdelay $0x2  }
0x175: {  	[tilespmem:s23], [sflag:$0x2] =	stream.indirect_vreg.gather [hbm4b:s2+s3], $0x80, v4, vm0, $0xb8;
	[tilespmem:$0x18200] =	vst v63  }
0x176: {  	_ = 	snop  }
0x177: {  	[tilespmem:s24], [sflag:$0x2] =	stream.indirect_vreg.gather [hbm4b:s2+s3], $0x80, v3, vm0, $0xb8;
	[tilespmem:$0x18200] =	vst v63  }
0x178: {  	v3 =	vld [tilespmem:$0x1E0];
	_ =	sdelay $0x4  }
0x179: {  	v62 =	vshll.u32 v3, $0x1  }
0x17a: {  	v3 =	vand.u32 $0x7, v3;
	v4 =	vand.u32 $0xFFFFFFF0, v62  }
0x17b: {  	v3 =	vor.u32 v3, v4  }
0x17c: {  	v4 =	vperm.xlane v3, v0;
	_ =	sdelay $0x1  }
0x17d: {  	v3 =	vperm.xlane v3, v2;
	v4 =	vadd.s32 v1, v4;
	_ =	sdelay $0x1  }
0x17e: {  	v3 =	vadd.s32 v1, v3;
	_ =	sdelay $0x2  }
0x17f: {  	[tilespmem:s25], [sflag:$0x2] =	stream.indirect_vreg.gather [hbm4b:s2+s3], $0x80, v4, vm0, $0xb8;
	[tilespmem:$0x18200] =	vst v63  }
0x180: {  	_ = 	snop  }
0x181: {  	[tilespmem:s5], [sflag:$0x2] =	stream.indirect_vreg.gather [hbm4b:s2+s3], $0x80, v3, vm0, $0xb8;
	[tilespmem:$0x18200] =	vst v63  }
0x182: {  	v3 =	vld [tilespmem:$0x1F0];
	_ =	sdelay $0x4  }
0x183: {  	v63 =	vshll.u32 v3, $0x1  }
0x184: {  	v3 =	vand.u32 $0x7, v3;
	v4 =	vand.u32 $0xFFFFFFF0, v63  }
0x185: {  	v3 =	vor.u32 v3, v4  }
0x186: {  	v4 =	vperm.xlane v3, v0;
	_ =	sdelay $0x1  }
0x187: {  	v3 =	vperm.xlane v3, v2;
	v4 =	vadd.s32 v1, v4;
	_ =	sdelay $0x1  }
0x188: {  	v3 =	vadd.s32 v1, v3;
	_ =	sdelay $0x2  }
0x189: {  	[tilespmem:s31], [sflag:$0x2] =	stream.indirect_vreg.gather [hbm4b:s2+s3], $0x80, v4, vm0, $0xb8;
	[tilespmem:$0x18200] =	vst v63  }
0x18a: {  	s13 =	simm.s32 $0x3  }
0x18b: {  	[tilespmem:s1], [sflag:$0x2] =	stream.indirect_vreg.gather [hbm4b:s2+s3], $0x80, v3, vm0, $0xb8;
	[tilespmem:$0x18200] =	vst v63  }
0x18c: {  	_ =	swait.ge [sflag:s13], $0x4000  }
0x18d: {  	[sflag:s13] =	ssyncset.done $0x0  }
0x18e: {  	s12 =	simm.s32 $0x4;
	s5 =	rddreg [dreg:$0x7];
	[sflag:s13] =	ssyncadd.s32 $0xFFFFC000  }
0x18f: {  	[hbm4b:s5+s3] =	stream.linear.scatter [tilespmem:s0], [sflag:$0x9], $0x4000, $0x38;
	[tilespmem:$0x18200] =	vst v63  }
0x190: {  	_ =	swait.ge [sflag:s12], $0x4000  }
0x191: {  	[sflag:s12] =	ssyncset.done $0x0  }
0x192: {  	s1 =	simm.s32 $0x5;
	s13 =	rddreg [dreg:$0x8];
	[sflag:s12] =	ssyncadd.s32 $0xFFFFC000  }
0x193: {  	[hbm4b:s13+s3] =	stream.linear.scatter [tilespmem:s7], [sflag:$0xA], $0x4000, $0x38;
	[tilespmem:$0x18200] =	vst v63  }
0x194: {  	_ =	swait.ge [sflag:s1], $0x4000  }
0x195: {  	[sflag:s1] =	ssyncset.done $0x0  }
0x196: {  	s12 =	simm.s32 $0x6;
	s5 =	rddreg [dreg:$0x9];
	[sflag:s1] =	ssyncadd.s32 $0xFFFFC000  }
0x197: {  	[hbm4b:s5+s3] =	stream.linear.scatter [tilespmem:s8], [sflag:$0xB], $0x4000, $0x38;
	[tilespmem:$0x18200] =	vst v63  }
0x198: {  	_ =	swait.ge [sflag:s12], $0x4000  }
0x199: {  	[sflag:s12] =	ssyncset.done $0x0  }
0x19a: {  	s13 =	rddreg [dreg:$0xa];
	[sflag:s12] =	ssyncadd.s32 $0xFFFFC000  }
0x19b: {  	[hbm4b:s13+s3] =	stream.linear.scatter [tilespmem:s9], [sflag:$0xC], $0x4000, $0x38;
	[tilespmem:$0x18200] =	vst v63  }
0x19c: {  	_ =	swait.ge [sflag:s26], $0x4000  }
0x19d: {  	[sflag:s26] =	ssyncset.done $0x0  }
0x19e: {  	s1 =	rddreg [dreg:$0xb];
	[sflag:s26] =	ssyncadd.s32 $0xFFFFC000  }
0x19f: {  	[hbm4b:s1+s3] =	stream.linear.scatter [tilespmem:s6], [sflag:$0x7], $0x4000, $0x38;
	[tilespmem:$0x18200] =	vst v63  }
0x1a0: {  	_ =	swait.ge [sflag:s29], $0x4000  }
0x1a1: {  	[sflag:s29] =	ssyncset.done $0x0  }
0x1a2: {  	s12 =	simm.s32 $0x9;
	s5 =	rddreg [dreg:$0xc];
	[sflag:s29] =	ssyncadd.s32 $0xFFFFC000  }
0x1a3: {  	[hbm4b:s5+s3] =	stream.linear.scatter [tilespmem:s14], [sflag:$0x8], $0x4000, $0x38;
	[tilespmem:$0x18200] =	vst v63  }
0x1a4: {  	_ =	swait.ge [sflag:s12], $0x4000  }
0x1a5: {  	[sflag:s12] =	ssyncset.done $0x0  }
0x1a6: {  	s13 =	simm.s32 $0xA;
	[sflag:s12] =	ssyncadd.s32 $0xFFFFC000  }
0x1a7: {  	_ =	swait.ge [sflag:s13], $0x4000  }
0x1a8: {  	[sflag:s13] =	ssyncset.done $0x0  }
0x1a9: {  	[sflag:s13] =	ssyncadd.s32 $0xFFFFC000  }
0x1aa: {  	_ =	swait.ge [sflag:s10], $0x4000  }
0x1ab: {  	[sflag:s10] =	ssyncset.done $0x0  }
0x1ac: {  	[sflag:s10] =	ssyncadd.s32 $0xFFFFC000  }
0x1ad: {  	_ =	swait.ge [sflag:s11], $0x4000  }
0x1ae: {  	[sflag:s11] =	ssyncset.done $0x0  }
0x1af: {  	[sflag:s11] =	ssyncadd.s32 $0xFFFFC000  }
0x1b0: {  	p0 =	sne.s32 s4, $0x1;
	_ =	swait.ge [sflag:s28], $0x4000  }
.Ltmp0:
0x1b1: {  	[sflag:s28] =	ssyncset.done $0x0;
	(pc) =	sbr.rel @p0 .LBB2_1-.Ltmp0, $4  }
0x1b2: {  	[sflag:s28] =	ssyncadd.s32 $0xFFFFC000  }
0x1b3: {  	_ =	swait.ge [sflag:s30], $0x4000  }
0x1b4: {  	[sflag:s30] =	ssyncset.done $0x0  }
0x1b5: {  	s4 =	sadd.s32 $0xFFFFFFFF, s4;
	[sflag:s30] =	ssyncadd.s32 $0xFFFFC000  }
0x1b6: {  	_ =	sfence.sel $0x180000  }
0x1b7: {  	[bflag:$0x0] =	sbarrier.arrive $0xFFFF  }
0x1b8: {  	_ =	strace $0x90000047  }
0x1b9: {  	s0 =	stileid.u32;
	[bflag:$0x2] =	sbarrier.arrive $0xFFFF  }
0x1ba: {  	p0 =	sne.s32 s0, $0x0;
	s0 =	rddreg [dreg:$0x3]  }
0x1bb: {  	s0 =	sadd.s32 @!p0 $0x100000, s0  }
0x1bc: {  	[sflag:s0] =	ssyncadd.tile.s32 @!p0 $0x1;
	_ =	shalt  }
.Lfunc_end2:
_tile_overlayer_lowered:
.L_overlay_start_2:
0x1bd: {  	(tag) =	ssettag $0x2  }
0x1be: {  	s0 =	rddreg [dreg:$0x0];
	s2 =	stileid.u32  }
0x1bf: {  	s1 =	rddreg [dreg:$0x1];
	p0 =	sne.s32 s2, $0x0  }
0x1c0: {  	s3 =	rddreg [dreg:$0x2];
	[bflag:$0x3] =	sbarrier.arrive $0xFFFF;
	s2 =	simm.s32 @!p0 $0x1C0D  }
0x1c1: {  	[timem:s3], [sflag:s2] =	dma.local @!p0 [hbm:s0], s1  }
0x1c2: {  	s0 =	simm.s32 @!p0 $0xD  }
0x1c3: {  	_ =	swait.ge @!p0 [sflag:s0], s1  }
0x1c4: {  	s1 =	ssub.s32 @!p0 $0x0, s1;
	[sflag:s0] =	ssyncset.done @!p0 $0x0  }
0x1c5: {  	[sflag:s0] =	ssyncadd.s32 @!p0 s1  }
0x1c6: {  	[bflag:$0x3] =	sbarrier.arrive $0xFFFF  }
0x1c7: {  	_ =	shalt  }

</sc_bundles>
